<compile_context>
chip_gen: v7x
topology: tpu7x:2x2x1
jax: 0.10.2.dev20260603
libtpu: 0.0.44.dev20260713+nightly
codegen_flags: <defaults>
</compile_context>

<pallas_src>
import functools

import jax
import jax.numpy as jnp
from jax import lax
from jax.experimental import pallas as pl
from jax.experimental.pallas import tpu as pltpu
from jax.experimental.pallas import tpu_sc as plsc

N = 10000
E = 320000
G = 64
D = 128
DOUT = 16

NC = 2
NS = 16
NW = NC * NS
EPW = E // NW
K = 125
NSTEPS = EPW // K
NP = 10240
RPT = NP // NS
ZC = 128
DEGW = 16
R = 1000
GRID = N // R

_mesh = plsc.VectorSubcoreMesh(
    core_axis_name="c", subcore_axis_name="s", num_cores=NC, num_subcores=NS)


@functools.partial(
    pl.kernel,
    out_type=jax.ShapeDtypeStruct((NC, NP, DEGW), jnp.float32),
    mesh=_mesh,
    scratch_types=[
        pltpu.VMEM((NSTEPS, K), jnp.int32),
        pltpu.VMEM((K, DEGW), jnp.float32),
        pltpu.VMEM((ZC, DEGW), jnp.float32),
        pltpu.VMEM_SHARED((NP, DEGW), jnp.float32),
    ],
)
def _deg_kernel(dst_hbm, out_hbm, dstv, rows_v, zbuf, acc):
    cid = lax.axis_index("c")
    sid = lax.axis_index("s")
    wid = cid * NS + sid

    def body0(i, _):
        zbuf[i] = jnp.zeros((DEGW,), jnp.float32)
        return 0
    lax.fori_loop(0, ZC, body0, 0)
    for r in range(RPT // ZC):
        pltpu.sync_copy(zbuf, acc.at[pl.ds(sid * RPT + r * ZC, ZC)])

    def body1(i, _):
        rows_v[i] = jnp.ones((DEGW,), jnp.float32)
        return 0
    lax.fori_loop(0, K, body1, 0)
    pltpu.sync_copy(dst_hbm.at[wid], dstv)
    plsc.subcore_barrier()

    def step(j, _):
        pltpu.sync_copy(rows_v, acc.at[dstv.at[j]], add=True)
        return 0
    lax.fori_loop(0, NSTEPS, step, 0)
    plsc.subcore_barrier()
    pltpu.sync_copy(acc.at[pl.ds(sid * RPT, RPT)],
                    out_hbm.at[cid, pl.ds(sid * RPT, RPT)])


@functools.partial(
    pl.kernel,
    out_type=jax.ShapeDtypeStruct((NC, NP, D), jnp.float32),
    mesh=_mesh,
    scratch_types=[
        pltpu.VMEM((NSTEPS, K), jnp.int32),
        pltpu.VMEM((NSTEPS, K), jnp.int32),
        pltpu.VMEM((K, D), jnp.float32),
        pltpu.VMEM_SHARED((NP, D), jnp.float32),
        pltpu.SemaphoreType.DMA,
    ],
)
def _agg_kernel(hs_hbm, src_hbm, dst_hbm, zeros_hbm, out_hbm,
                srcv, dstv, buf, acc, sem):
    cid = lax.axis_index("c")
    sid = lax.axis_index("s")
    wid = cid * NS + sid

    pltpu.sync_copy(zeros_hbm.at[pl.ds(sid * RPT, RPT)],
                    acc.at[pl.ds(sid * RPT, RPT)])
    pltpu.sync_copy(src_hbm.at[wid], srcv)
    pltpu.sync_copy(dst_hbm.at[wid], dstv)
    plsc.subcore_barrier()

    def step(j, _):
        pltpu.async_copy(hs_hbm.at[srcv.at[j]], buf, sem).wait()
        pltpu.sync_copy(buf, acc.at[dstv.at[j]], add=True)
        return 0
    lax.fori_loop(0, NSTEPS, step, 0)
    plsc.subcore_barrier()
    pltpu.sync_copy(acc.at[pl.ds(sid * RPT, RPT)],
                    out_hbm.at[cid, pl.ds(sid * RPT, RPT)])


def _dinv_of(degp_ref):
    deg = degp_ref[0, :, 0:1] + degp_ref[1, :, 0:1] + 1.0
    return lax.rsqrt(deg)


def _mm1_body(degp_ref, x_ref, w_ref, o_ref):
    o_ref[...] = _dinv_of(degp_ref) * jnp.dot(
        x_ref[...], w_ref[...], preferred_element_type=jnp.float32)


_mm1 = pl.pallas_call(
    _mm1_body,
    grid=(GRID,),
    in_specs=[
        pl.BlockSpec((NC, R, DEGW), lambda i: (0, i, 0)),
        pl.BlockSpec((R, D), lambda i: (i, 0)),
        pl.BlockSpec((D, D), lambda i: (0, 0)),
    ],
    out_specs=pl.BlockSpec((R, D), lambda i: (i, 0)),
    out_shape=jax.ShapeDtypeStruct((N, D), jnp.float32),
)


def _mix_body(degp_ref, sp_ref, hs_ref, b_ref, w_ref, o_ref):
    dinv = _dinv_of(degp_ref)
    tot = sp_ref[0] + sp_ref[1] + hs_ref[...]
    h = jnp.maximum(dinv * tot + b_ref[...], 0.0)
    o_ref[...] = dinv * jnp.dot(h, w_ref[...],
                                preferred_element_type=jnp.float32)


_mix = pl.pallas_call(
    _mix_body,
    grid=(GRID,),
    in_specs=[
        pl.BlockSpec((NC, R, DEGW), lambda i: (0, i, 0)),
        pl.BlockSpec((NC, R, D), lambda i: (0, i, 0)),
        pl.BlockSpec((R, D), lambda i: (i, 0)),
        pl.BlockSpec((1, D), lambda i: (0, 0)),
        pl.BlockSpec((D, D), lambda i: (0, 0)),
    ],
    out_specs=pl.BlockSpec((R, D), lambda i: (i, 0)),
    out_shape=jax.ShapeDtypeStruct((N, D), jnp.float32),
)


def _fin_body(degp_ref, sp_ref, hs_ref, b_ref, wl_ref, bl_ref, batch_ref,
              o_ref, acc_s, acc_c):
    i = pl.program_id(0)
    dinv = _dinv_of(degp_ref)
    tot = sp_ref[0] + sp_ref[1] + hs_ref[...]
    h = jnp.maximum(dinv * tot + b_ref[...], 0.0)
    t = jnp.tanh(jnp.dot(h, wl_ref[...], preferred_element_type=jnp.float32)
                 + bl_ref[...])
    bt = batch_ref[0, 0, :]
    oh = (lax.broadcasted_iota(jnp.int32, (G, R), 0)
          == bt[None, :]).astype(jnp.float32)
    ps = jnp.dot(oh, t, preferred_element_type=jnp.float32)
    pc = jnp.sum(oh, axis=1)[:, None]

    @pl.when(i == 0)
    def _():
        acc_s[...] = jnp.zeros_like(acc_s)
        acc_c[...] = jnp.zeros_like(acc_c)

    acc_s[...] += ps
    acc_c[...] += pc

    @pl.when(i == pl.num_programs(0) - 1)
    def _():
        o_ref[...] = acc_s[...] / jnp.maximum(acc_c[...], 1.0)


_fin = pl.pallas_call(
    _fin_body,
    grid=(GRID,),
    in_specs=[
        pl.BlockSpec((NC, R, DEGW), lambda i: (0, i, 0)),
        pl.BlockSpec((NC, R, D), lambda i: (0, i, 0)),
        pl.BlockSpec((R, D), lambda i: (i, 0)),
        pl.BlockSpec((1, D), lambda i: (0, 0)),
        pl.BlockSpec((D, DOUT), lambda i: (0, 0)),
        pl.BlockSpec((1, DOUT), lambda i: (0, 0)),
        pl.BlockSpec((1, 1, R), lambda i: (i, 0, 0)),
    ],
    out_specs=pl.BlockSpec((G, DOUT), lambda i: (0, 0)),
    out_shape=jax.ShapeDtypeStruct((G, DOUT), jnp.float32),
    scratch_shapes=[
        pltpu.VMEM((G, DOUT), jnp.float32),
        pltpu.VMEM((G, 1), jnp.float32),
    ],
)


def kernel(x, edge_index, batch, W1, b1, W2, b2, W3, b3, Wlin, blin):
    src = edge_index[0].astype(jnp.int32).reshape(NW, NSTEPS, K)
    dst = edge_index[1].astype(jnp.int32).reshape(NW, NSTEPS, K)
    zeros = jnp.zeros((NP, D), jnp.float32)
    batch3 = batch.astype(jnp.int32).reshape(GRID, 1, R)
    b1r, b2r, b3r = (b.reshape(1, D) for b in (b1, b2, b3))
    blr = blin.reshape(1, DOUT)

    degp = _deg_kernel(dst)
    hs = _mm1(degp, x, W1)
    sp = _agg_kernel(hs, src, dst, zeros)
    hs = _mix(degp, sp, hs, b1r, W2)
    sp = _agg_kernel(hs, src, dst, zeros)
    hs = _mix(degp, sp, hs, b2r, W3)
    sp = _agg_kernel(hs, src, dst, zeros)
    return _fin(degp, sp, hs, b3r, Wlin, blr, batch3)

# --- scband reference (transcript-rebuilt; emitter-appended) ---
"""Pipeline reference for scband-gcnpolicy-10574209483591 (READ-ONLY COPY).

The authoritative reference and input builder live on the scoring server;
editing this copy changes nothing except your own understanding.
"""

import jax, jax.numpy as jnp
import numpy as np

N = 10000
E = 320000
G = 64
D_IN = 128
D_H = 128
D_OUT = 16


def gcn_conv(x, edge_index, W, b):
    # PyG GCNConv: add self loops, symmetric normalization D^-1/2 (A+I) D^-1/2 X W + b
    n = x.shape[0]
    loop = jnp.arange(n, dtype=edge_index.dtype)
    src = jnp.concatenate([edge_index[0], loop])
    dst = jnp.concatenate([edge_index[1], loop])
    deg = jnp.zeros((n,), jnp.float32).at[dst].add(1.0)
    dinv = jax.lax.rsqrt(jnp.maximum(deg, 1.0))  # deg >= 1 due to self loops
    norm = dinv[src] * dinv[dst]
    h = x @ W
    msg = norm[:, None] * jnp.take(h, src, axis=0)
    out = jnp.zeros((n, W.shape[1]), h.dtype).at[dst].add(msg)
    return out + b


def global_mean_pool(x, batch, num_graphs):
    sums = jax.ops.segment_sum(x, batch, num_segments=num_graphs)
    cnts = jax.ops.segment_sum(jnp.ones((x.shape[0],), x.dtype), batch, num_segments=num_graphs)
    return sums / jnp.maximum(cnts, 1.0)[:, None]


def setup_inputs(seed: int = 0) -> dict:
    key = jax.random.key(seed)
    ks = jax.random.split(key, 12)
    x = jax.random.normal(ks[0], (N, D_IN), dtype=jnp.float32)
    edge_index = jax.random.randint(ks[1], (2, E), 0, N, dtype=jnp.int64)
    batch = jnp.sort(jax.random.randint(ks[2], (N,), 0, G, dtype=jnp.int64))
    W1 = jax.random.normal(ks[3], (D_IN, D_H), dtype=jnp.float32) * 0.05
    b1 = jnp.zeros((D_H,), jnp.float32)
    W2 = jax.random.normal(ks[4], (D_H, D_H), dtype=jnp.float32) * 0.05
    b2 = jnp.zeros((D_H,), jnp.float32)
    W3 = jax.random.normal(ks[5], (D_H, D_H), dtype=jnp.float32) * 0.05
    b3 = jnp.zeros((D_H,), jnp.float32)
    Wlin = jax.random.normal(ks[6], (D_H, D_OUT), dtype=jnp.float32) * 0.05
    blin = jnp.zeros((D_OUT,), jnp.float32)
    return {"x": x, "edge_index": edge_index, "batch": batch,
            "W1": W1, "b1": b1, "W2": W2, "b2": b2, "W3": W3, "b3": b3,
            "Wlin": Wlin, "blin": blin}


def reference(x, edge_index, batch, W1, b1, W2, b2, W3, b3, Wlin, blin):
    h = jax.nn.relu(gcn_conv(x, edge_index, W1, b1))
    h = jax.nn.relu(gcn_conv(h, edge_index, W2, b2))
    h = jax.nn.relu(gcn_conv(h, edge_index, W3, b3))
    h = jnp.tanh(h @ Wlin + blin)
    return global_mean_pool(h, batch, G)

if __name__ == "__main__":
    import jax
    _d = setup_inputs()
    print(jax.jit(kernel)(*tuple(_d.values())))

</pallas_src>

<mosaic_0001>
#map = affine_map<(d0, d1) -> (0, 0)>
#map1 = affine_map<(d0, d1) -> (0, 0, 0)>
module attributes {stable_mosaic.version = 14 : i64} {
  func.func @_agg_kernel(%arg0: i32, %arg1: i32, %arg2: memref<10000x128xf32, #tpu.memory_space<hbm>>, %arg3: memref<32x80x125xi32, #tpu.memory_space<hbm>>, %arg4: memref<32x80x125xi32, #tpu.memory_space<hbm>>, %arg5: memref<10240x128xf32, #tpu.memory_space<hbm>>, %arg6: memref<2x10240x128xf32, #tpu.memory_space<hbm>>, %arg7: memref<80x125xi32, #tpu.memory_space<vmem>>, %arg8: memref<80x125xi32, #tpu.memory_space<vmem>>, %arg9: memref<125x128xf32, #tpu.memory_space<vmem>>, %arg10: memref<10240x128xf32, #tpu.memory_space<vmem_shared>>, %arg11: memref<!tpu.dma_semaphore, #tpu.memory_space<semaphore_mem>>) attributes {dimension_semantics = [#tpu.dimension_semantics<core_parallel>, #tpu.dimension_semantics<subcore_parallel>], iteration_bounds = array<i64: 2, 16>, scalar_prefetch = 0 : i64, scratch_operands = 5 : i64, tpu.core_type = #tpu.core_type<sc_vector_subcore>, window_params = [{transform_indices = #map}, {transform_indices = #map1}, {transform_indices = #map1}, {transform_indices = #map}, {transform_indices = #map1}]} {
    %mul3A = arith.constant 16 : i32
    %mul3A_0 = arith.muli %arg0, %mul3A : i32
    %add3A = arith.addi %mul3A_0, %arg1 : i32
    %mul3A_1 = arith.constant 640 : i32
    %mul3A_2 = arith.muli %arg1, %mul3A_1 : i32
    %mul3A_3 = arith.constant 640 : i32
    %mul3A_4 = arith.muli %arg1, %mul3A_3 : i32
    "tpu.region"() ({
      %run_scoped3A = tpu.sem_alloc : memref<!tpu.dma_semaphore, #tpu.memory_space<semaphore_mem>>
      %dma_start3A = arith.constant 0 : i32
      %dma_start3A_16 = tpu.memref_slice %arg10[%mul3A_4, %dma_start3A] : memref<10240x128xf32, #tpu.memory_space<vmem_shared>> -> memref<640x128xf32, #tpu.memory_space<vmem_shared>>
      %dma_start3A_17 = arith.constant 0 : i32
      %dma_start3A_18 = tpu.memref_slice %arg5[%mul3A_2, %dma_start3A_17] : memref<10240x128xf32, #tpu.memory_space<hbm>> -> memref<640x128xf32, #tpu.memory_space<hbm>>
      tpu.enqueue_dma source(%dma_start3A_18 : memref<640x128xf32, #tpu.memory_space<hbm>>) target(%dma_start3A_16 : memref<640x128xf32, #tpu.memory_space<vmem_shared>>) target_semaphore(%run_scoped3A : memref<!tpu.dma_semaphore, #tpu.memory_space<semaphore_mem>>)
      %dma_wait3A = arith.constant 0 : i32
      %dma_wait3A_19 = tpu.memref_slice %arg10[%mul3A_4, %dma_wait3A] : memref<10240x128xf32, #tpu.memory_space<vmem_shared>> -> memref<640x128xf32, #tpu.memory_space<vmem_shared>>
      %dma_wait3A_20 = arith.constant 0 : i32
      %dma_wait3A_21 = tpu.memref_slice %arg5[%mul3A_2, %dma_wait3A_20] : memref<10240x128xf32, #tpu.memory_space<hbm>> -> memref<640x128xf32, #tpu.memory_space<hbm>>
      tpu.wait_dma2 semaphore(%run_scoped3A : memref<!tpu.dma_semaphore, #tpu.memory_space<semaphore_mem>>) src(%dma_wait3A_21 : memref<640x128xf32, #tpu.memory_space<hbm>>) dst(%dma_wait3A_19 : memref<640x128xf32, #tpu.memory_space<vmem_shared>>)
      tpu.yield
    }) : () -> ()
    "tpu.region"() ({
      %run_scoped3A = tpu.sem_alloc : memref<!tpu.dma_semaphore, #tpu.memory_space<semaphore_mem>>
      %dma_start3A = arith.constant 0 : i32
      %dma_start3A_16 = arith.constant 0 : i32
      %dma_start3A_17 = tpu.memref_slice %arg3[%add3A, %dma_start3A, %dma_start3A_16] : memref<32x80x125xi32, #tpu.memory_space<hbm>> -> memref<1x80x125xi32, #tpu.memory_space<hbm>>
      %dma_start3A_18 = tpu.memref_squeeze %dma_start3A_17 : memref<1x80x125xi32, #tpu.memory_space<hbm>> -> memref<80x125xi32, #tpu.memory_space<hbm>>
      %dma_start3A_19 = arith.constant 0 : i32
      %dma_start3A_20 = arith.constant 0 : i32
      %dma_start3A_21 = tpu.memref_slice %arg3[%add3A, %dma_start3A_19, %dma_start3A_20] : memref<32x80x125xi32, #tpu.memory_space<hbm>> -> memref<1x80x125xi32, #tpu.memory_space<hbm>>
      %dma_start3A_22 = tpu.memref_squeeze %dma_start3A_21 : memref<1x80x125xi32, #tpu.memory_space<hbm>> -> memref<80x125xi32, #tpu.memory_space<hbm>>
      tpu.enqueue_dma source(%dma_start3A_22 : memref<80x125xi32, #tpu.memory_space<hbm>>) target(%arg7 : memref<80x125xi32, #tpu.memory_space<vmem>>) target_semaphore(%run_scoped3A : memref<!tpu.dma_semaphore, #tpu.memory_space<semaphore_mem>>)
      %dma_wait3A = arith.constant 0 : i32
      %dma_wait3A_23 = arith.constant 0 : i32
      %dma_wait3A_24 = tpu.memref_slice %arg3[%add3A, %dma_wait3A, %dma_wait3A_23] : memref<32x80x125xi32, #tpu.memory_space<hbm>> -> memref<1x80x125xi32, #tpu.memory_space<hbm>>
      %dma_wait3A_25 = tpu.memref_squeeze %dma_wait3A_24 : memref<1x80x125xi32, #tpu.memory_space<hbm>> -> memref<80x125xi32, #tpu.memory_space<hbm>>
      %dma_wait3A_26 = arith.constant 0 : i32
      %dma_wait3A_27 = arith.constant 0 : i32
      %dma_wait3A_28 = tpu.memref_slice %arg3[%add3A, %dma_wait3A_26, %dma_wait3A_27] : memref<32x80x125xi32, #tpu.memory_space<hbm>> -> memref<1x80x125xi32, #tpu.memory_space<hbm>>
      %dma_wait3A_29 = tpu.memref_squeeze %dma_wait3A_28 : memref<1x80x125xi32, #tpu.memory_space<hbm>> -> memref<80x125xi32, #tpu.memory_space<hbm>>
      tpu.wait_dma2 semaphore(%run_scoped3A : memref<!tpu.dma_semaphore, #tpu.memory_space<semaphore_mem>>) src(%dma_wait3A_29 : memref<80x125xi32, #tpu.memory_space<hbm>>) dst(%arg7 : memref<80x125xi32, #tpu.memory_space<vmem>>)
      tpu.yield
    }) : () -> ()
    "tpu.region"() ({
      %run_scoped3A = tpu.sem_alloc : memref<!tpu.dma_semaphore, #tpu.memory_space<semaphore_mem>>
      %dma_start3A = arith.constant 0 : i32
      %dma_start3A_16 = arith.constant 0 : i32
      %dma_start3A_17 = tpu.memref_slice %arg4[%add3A, %dma_start3A, %dma_start3A_16] : memref<32x80x125xi32, #tpu.memory_space<hbm>> -> memref<1x80x125xi32, #tpu.memory_space<hbm>>
      %dma_start3A_18 = tpu.memref_squeeze %dma_start3A_17 : memref<1x80x125xi32, #tpu.memory_space<hbm>> -> memref<80x125xi32, #tpu.memory_space<hbm>>
      %dma_start3A_19 = arith.constant 0 : i32
      %dma_start3A_20 = arith.constant 0 : i32
      %dma_start3A_21 = tpu.memref_slice %arg4[%add3A, %dma_start3A_19, %dma_start3A_20] : memref<32x80x125xi32, #tpu.memory_space<hbm>> -> memref<1x80x125xi32, #tpu.memory_space<hbm>>
      %dma_start3A_22 = tpu.memref_squeeze %dma_start3A_21 : memref<1x80x125xi32, #tpu.memory_space<hbm>> -> memref<80x125xi32, #tpu.memory_space<hbm>>
      tpu.enqueue_dma source(%dma_start3A_22 : memref<80x125xi32, #tpu.memory_space<hbm>>) target(%arg8 : memref<80x125xi32, #tpu.memory_space<vmem>>) target_semaphore(%run_scoped3A : memref<!tpu.dma_semaphore, #tpu.memory_space<semaphore_mem>>)
      %dma_wait3A = arith.constant 0 : i32
      %dma_wait3A_23 = arith.constant 0 : i32
      %dma_wait3A_24 = tpu.memref_slice %arg4[%add3A, %dma_wait3A, %dma_wait3A_23] : memref<32x80x125xi32, #tpu.memory_space<hbm>> -> memref<1x80x125xi32, #tpu.memory_space<hbm>>
      %dma_wait3A_25 = tpu.memref_squeeze %dma_wait3A_24 : memref<1x80x125xi32, #tpu.memory_space<hbm>> -> memref<80x125xi32, #tpu.memory_space<hbm>>
      %dma_wait3A_26 = arith.constant 0 : i32
      %dma_wait3A_27 = arith.constant 0 : i32
      %dma_wait3A_28 = tpu.memref_slice %arg4[%add3A, %dma_wait3A_26, %dma_wait3A_27] : memref<32x80x125xi32, #tpu.memory_space<hbm>> -> memref<1x80x125xi32, #tpu.memory_space<hbm>>
      %dma_wait3A_29 = tpu.memref_squeeze %dma_wait3A_28 : memref<1x80x125xi32, #tpu.memory_space<hbm>> -> memref<80x125xi32, #tpu.memory_space<hbm>>
      tpu.wait_dma2 semaphore(%run_scoped3A : memref<!tpu.dma_semaphore, #tpu.memory_space<semaphore_mem>>) src(%dma_wait3A_29 : memref<80x125xi32, #tpu.memory_space<hbm>>) dst(%arg8 : memref<80x125xi32, #tpu.memory_space<vmem>>)
      tpu.yield
    }) : () -> ()
    %barrier3A = arith.constant 0 : index
    tpu.barrier barrier_id(%barrier3A)
    %scan3A = arith.constant 0 : i32
    %scan3A_5 = arith.constant 0 : i32
    %scan3A_6 = arith.constant 80 : i32
    %scan3A_7 = arith.addi %scan3A_5, %scan3A_6 : i32
    %scan3A_8 = arith.constant 1 : i32
    %scan3A_9 = scf.for %scan3A_16 = %scan3A_5 to %scan3A_7 step %scan3A_8 iter_args(%scan3A_17 = %scan3A) -> (i32)  : i32 {
      %dma_start3A = arith.constant 0 : i32
      %dma_start3A_18 = tpu.memref_slice %arg7[%scan3A_16, %dma_start3A] : memref<80x125xi32, #tpu.memory_space<vmem>> -> memref<1x125xi32, #tpu.memory_space<vmem>>
      %dma_start3A_19 = tpu.memref_squeeze %dma_start3A_18 : memref<1x125xi32, #tpu.memory_space<vmem>> -> memref<125xi32, #tpu.memory_space<vmem>>
      %dma_start3A_20 = arith.constant 0 : i32
      %dma_start3A_21 = arith.constant 0 : i32
      %dma_start3A_22 = tpu.memref_slice %arg2[%dma_start3A_20, %dma_start3A_21] : memref<10000x128xf32, #tpu.memory_space<hbm>> -> memref<10000x128xf32, #tpu.memory_space<hbm>>
      tpu.enqueue_indirect_dma source(%dma_start3A_22 : memref<10000x128xf32, #tpu.memory_space<hbm>>) target(%arg9 : memref<125x128xf32, #tpu.memory_space<vmem>>) offsets(%dma_start3A_19 : memref<125xi32, #tpu.memory_space<vmem>>) semaphore(%arg11 : memref<!tpu.dma_semaphore, #tpu.memory_space<semaphore_mem>>)
      %dma_wait3A = arith.constant 0 : i32
      %dma_wait3A_23 = tpu.memref_slice %arg7[%scan3A_16, %dma_wait3A] : memref<80x125xi32, #tpu.memory_space<vmem>> -> memref<1x125xi32, #tpu.memory_space<vmem>>
      %dma_wait3A_24 = tpu.memref_squeeze %dma_wait3A_23 : memref<1x125xi32, #tpu.memory_space<vmem>> -> memref<125xi32, #tpu.memory_space<vmem>>
      %dma_wait3A_25 = arith.constant 0 : i32
      %dma_wait3A_26 = arith.constant 0 : i32
      %dma_wait3A_27 = tpu.memref_slice %arg2[%dma_wait3A_25, %dma_wait3A_26] : memref<10000x128xf32, #tpu.memory_space<hbm>> -> memref<10000x128xf32, #tpu.memory_space<hbm>>
      tpu.wait_indirect_dma semaphore(%arg11 : memref<!tpu.dma_semaphore, #tpu.memory_space<semaphore_mem>>) src(%dma_wait3A_27 : memref<10000x128xf32, #tpu.memory_space<hbm>>) dst(%arg9 : memref<125x128xf32, #tpu.memory_space<vmem>>)
      "tpu.region"() ({
        %run_scoped3A = tpu.sem_alloc : memref<!tpu.dma_semaphore, #tpu.memory_space<semaphore_mem>>
        %dma_start3A_29 = arith.constant 0 : i32
        %dma_start3A_30 = tpu.memref_slice %arg8[%scan3A_16, %dma_start3A_29] : memref<80x125xi32, #tpu.memory_space<vmem>> -> memref<1x125xi32, #tpu.memory_space<vmem>>
        %dma_start3A_31 = tpu.memref_squeeze %dma_start3A_30 : memref<1x125xi32, #tpu.memory_space<vmem>> -> memref<125xi32, #tpu.memory_space<vmem>>
        %dma_start3A_32 = arith.constant 0 : i32
        %dma_start3A_33 = arith.constant 0 : i32
        %dma_start3A_34 = tpu.memref_slice %arg10[%dma_start3A_32, %dma_start3A_33] : memref<10240x128xf32, #tpu.memory_space<vmem_shared>> -> memref<10240x128xf32, #tpu.memory_space<vmem_shared>>
        tpu.enqueue_indirect_dma source(%arg9 : memref<125x128xf32, #tpu.memory_space<vmem>>) target(%dma_start3A_34 : memref<10240x128xf32, #tpu.memory_space<vmem_shared>>) offsets(%dma_start3A_31 : memref<125xi32, #tpu.memory_space<vmem>>) semaphore(%run_scoped3A : memref<!tpu.dma_semaphore, #tpu.memory_space<semaphore_mem>>) {add = true}
        %dma_wait3A_35 = arith.constant 0 : i32
        %dma_wait3A_36 = tpu.memref_slice %arg8[%scan3A_16, %dma_wait3A_35] : memref<80x125xi32, #tpu.memory_space<vmem>> -> memref<1x125xi32, #tpu.memory_space<vmem>>
        %dma_wait3A_37 = tpu.memref_squeeze %dma_wait3A_36 : memref<1x125xi32, #tpu.memory_space<vmem>> -> memref<125xi32, #tpu.memory_space<vmem>>
        %dma_wait3A_38 = arith.constant 0 : i32
        %dma_wait3A_39 = arith.constant 0 : i32
        %dma_wait3A_40 = tpu.memref_slice %arg10[%dma_wait3A_38, %dma_wait3A_39] : memref<10240x128xf32, #tpu.memory_space<vmem_shared>> -> memref<10240x128xf32, #tpu.memory_space<vmem_shared>>
        tpu.wait_indirect_dma semaphore(%run_scoped3A : memref<!tpu.dma_semaphore, #tpu.memory_space<semaphore_mem>>) src(%arg9 : memref<125x128xf32, #tpu.memory_space<vmem>>) dst(%dma_wait3A_40 : memref<10240x128xf32, #tpu.memory_space<vmem_shared>>)
        tpu.yield
      }) : () -> ()
      %scan3A_28 = arith.constant 0 : i32
      scf.yield %scan3A_28 : i32
    }
    %scan3A_10 = arith.constant 80 : i32
    %barrier3A_11 = arith.constant 0 : index
    tpu.barrier barrier_id(%barrier3A_11)
    %mul3A_12 = arith.constant 640 : i32
    %mul3A_13 = arith.muli %arg1, %mul3A_12 : i32
    %mul3A_14 = arith.constant 640 : i32
    %mul3A_15 = arith.muli %arg1, %mul3A_14 : i32
    "tpu.region"() ({
      %run_scoped3A = tpu.sem_alloc : memref<!tpu.dma_semaphore, #tpu.memory_space<semaphore_mem>>
      %dma_start3A = arith.constant 0 : i32
      %dma_start3A_16 = tpu.memref_slice %arg6[%arg0, %mul3A_15, %dma_start3A] : memref<2x10240x128xf32, #tpu.memory_space<hbm>> -> memref<1x640x128xf32, #tpu.memory_space<hbm>>
      %dma_start3A_17 = tpu.memref_squeeze %dma_start3A_16 : memref<1x640x128xf32, #tpu.memory_space<hbm>> -> memref<640x128xf32, #tpu.memory_space<hbm>>
      %dma_start3A_18 = arith.constant 0 : i32
      %dma_start3A_19 = tpu.memref_slice %arg10[%mul3A_13, %dma_start3A_18] : memref<10240x128xf32, #tpu.memory_space<vmem_shared>> -> memref<640x128xf32, #tpu.memory_space<vmem_shared>>
      tpu.enqueue_dma source(%dma_start3A_19 : memref<640x128xf32, #tpu.memory_space<vmem_shared>>) target(%dma_start3A_17 : memref<640x128xf32, #tpu.memory_space<hbm>>) target_semaphore(%run_scoped3A : memref<!tpu.dma_semaphore, #tpu.memory_space<semaphore_mem>>)
      %dma_wait3A = arith.constant 0 : i32
      %dma_wait3A_20 = tpu.memref_slice %arg6[%arg0, %mul3A_15, %dma_wait3A] : memref<2x10240x128xf32, #tpu.memory_space<hbm>> -> memref<1x640x128xf32, #tpu.memory_space<hbm>>
      %dma_wait3A_21 = tpu.memref_squeeze %dma_wait3A_20 : memref<1x640x128xf32, #tpu.memory_space<hbm>> -> memref<640x128xf32, #tpu.memory_space<hbm>>
      %dma_wait3A_22 = arith.constant 0 : i32
      %dma_wait3A_23 = tpu.memref_slice %arg10[%mul3A_13, %dma_wait3A_22] : memref<10240x128xf32, #tpu.memory_space<vmem_shared>> -> memref<640x128xf32, #tpu.memory_space<vmem_shared>>
      tpu.wait_dma2 semaphore(%run_scoped3A : memref<!tpu.dma_semaphore, #tpu.memory_space<semaphore_mem>>) src(%dma_wait3A_23 : memref<640x128xf32, #tpu.memory_space<vmem_shared>>) dst(%dma_wait3A_21 : memref<640x128xf32, #tpu.memory_space<hbm>>)
      tpu.yield
    }) : () -> ()
    return
  }
}

#map = affine_map<(d0, d1) -> (0, 0, 0)>
module attributes {stable_mosaic.version = 14 : i64} {
  func.func @_deg_kernel(%arg0: i32, %arg1: i32, %arg2: memref<32x80x125xi32, #tpu.memory_space<hbm>>, %arg3: memref<2x10240x16xf32, #tpu.memory_space<hbm>>, %arg4: memref<80x125xi32, #tpu.memory_space<vmem>>, %arg5: memref<125x16xf32, #tpu.memory_space<vmem>>, %arg6: memref<128x16xf32, #tpu.memory_space<vmem>>, %arg7: memref<10240x16xf32, #tpu.memory_space<vmem_shared>>) attributes {dimension_semantics = [#tpu.dimension_semantics<core_parallel>, #tpu.dimension_semantics<subcore_parallel>], iteration_bounds = array<i64: 2, 16>, scalar_prefetch = 0 : i64, scratch_operands = 4 : i64, tpu.core_type = #tpu.core_type<sc_vector_subcore>, window_params = [{transform_indices = #map}, {transform_indices = #map}]} {
    %mul3A = arith.constant 16 : i32
    %mul3A_0 = arith.muli %arg0, %mul3A : i32
    %add3A = arith.addi %mul3A_0, %arg1 : i32
    %scan3A = arith.constant 0 : i32
    %scan3A_1 = arith.constant 0 : i32
    %scan3A_2 = arith.constant 128 : i32
    %scan3A_3 = arith.addi %scan3A_1, %scan3A_2 : i32
    %scan3A_4 = arith.constant 1 : i32
    %scan3A_5 = scf.for %scan3A_46 = %scan3A_1 to %scan3A_3 step %scan3A_4 iter_args(%scan3A_47 = %scan3A) -> (i32)  : i32 {
      %broadcast_in_dim3A = arith.constant 0.000000e+00 : f32
      %broadcast_in_dim3A_48 = vector.broadcast %broadcast_in_dim3A : f32 to vector<16xf32>
      %swap3A = arith.index_cast %scan3A_46 : i32 to index
      %swap3A_49 = arith.constant 0 : index
      %swap3A_50 = tpu.vector_load %arg6[%swap3A, %swap3A_49] {strides = array<i32>} : memref<128x16xf32, #tpu.memory_space<vmem>>, vector<1x16xf32>,
      %swap3A_51 = vector.shape_cast %swap3A_50 : vector<1x16xf32> to vector<16xf32>
      %swap3A_52 = vector.shape_cast %broadcast_in_dim3A_48 : vector<16xf32> to vector<1x16xf32>
      tpu.vector_store %arg6[%swap3A, %swap3A_49], %swap3A_52 {strides = array<i32>} : memref<128x16xf32, #tpu.memory_space<vmem>>, vector<1x16xf32>,
      %scan3A_53 = arith.constant 0 : i32
      scf.yield %scan3A_53 : i32
    }
    %scan3A_6 = arith.constant 128 : i32
    %mul3A_7 = arith.constant 640 : i32
    %mul3A_8 = arith.muli %arg1, %mul3A_7 : i32
    %add3A_9 = arith.constant 0 : i32
    %add3A_10 = arith.addi %mul3A_8, %add3A_9 : i32
    "tpu.region"() ({
      %run_scoped3A = tpu.sem_alloc : memref<!tpu.dma_semaphore, #tpu.memory_space<semaphore_mem>>
      %dma_start3A = arith.constant 0 : i32
      %dma_start3A_46 = tpu.memref_slice %arg7[%add3A_10, %dma_start3A] : memref<10240x16xf32, #tpu.memory_space<vmem_shared>> -> memref<128x16xf32, #tpu.memory_space<vmem_shared>>
      %dma_start3A_47 = arith.constant 0 : i32
      %dma_start3A_48 = tpu.memref_slice %arg7[%add3A_10, %dma_start3A_47] : memref<10240x16xf32, #tpu.memory_space<vmem_shared>> -> memref<128x16xf32, #tpu.memory_space<vmem_shared>>
      tpu.enqueue_dma source(%arg6 : memref<128x16xf32, #tpu.memory_space<vmem>>) target(%dma_start3A_48 : memref<128x16xf32, #tpu.memory_space<vmem_shared>>) target_semaphore(%run_scoped3A : memref<!tpu.dma_semaphore, #tpu.memory_space<semaphore_mem>>)
      %dma_wait3A = arith.constant 0 : i32
      %dma_wait3A_49 = tpu.memref_slice %arg7[%add3A_10, %dma_wait3A] : memref<10240x16xf32, #tpu.memory_space<vmem_shared>> -> memref<128x16xf32, #tpu.memory_space<vmem_shared>>
      %dma_wait3A_50 = arith.constant 0 : i32
      %dma_wait3A_51 = tpu.memref_slice %arg7[%add3A_10, %dma_wait3A_50] : memref<10240x16xf32, #tpu.memory_space<vmem_shared>> -> memref<128x16xf32, #tpu.memory_space<vmem_shared>>
      tpu.wait_dma2 semaphore(%run_scoped3A : memref<!tpu.dma_semaphore, #tpu.memory_space<semaphore_mem>>) src(%arg6 : memref<128x16xf32, #tpu.memory_space<vmem>>) dst(%dma_wait3A_51 : memref<128x16xf32, #tpu.memory_space<vmem_shared>>)
      tpu.yield
    }) : () -> ()
    %mul3A_11 = arith.constant 640 : i32
    %mul3A_12 = arith.muli %arg1, %mul3A_11 : i32
    %add3A_13 = arith.constant 128 : i32
    %add3A_14 = arith.addi %mul3A_12, %add3A_13 : i32
    "tpu.region"() ({
      %run_scoped3A = tpu.sem_alloc : memref<!tpu.dma_semaphore, #tpu.memory_space<semaphore_mem>>
      %dma_start3A = arith.constant 0 : i32
      %dma_start3A_46 = tpu.memref_slice %arg7[%add3A_14, %dma_start3A] : memref<10240x16xf32, #tpu.memory_space<vmem_shared>> -> memref<128x16xf32, #tpu.memory_space<vmem_shared>>
      %dma_start3A_47 = arith.constant 0 : i32
      %dma_start3A_48 = tpu.memref_slice %arg7[%add3A_14, %dma_start3A_47] : memref<10240x16xf32, #tpu.memory_space<vmem_shared>> -> memref<128x16xf32, #tpu.memory_space<vmem_shared>>
      tpu.enqueue_dma source(%arg6 : memref<128x16xf32, #tpu.memory_space<vmem>>) target(%dma_start3A_48 : memref<128x16xf32, #tpu.memory_space<vmem_shared>>) target_semaphore(%run_scoped3A : memref<!tpu.dma_semaphore, #tpu.memory_space<semaphore_mem>>)
      %dma_wait3A = arith.constant 0 : i32
      %dma_wait3A_49 = tpu.memref_slice %arg7[%add3A_14, %dma_wait3A] : memref<10240x16xf32, #tpu.memory_space<vmem_shared>> -> memref<128x16xf32, #tpu.memory_space<vmem_shared>>
      %dma_wait3A_50 = arith.constant 0 : i32
      %dma_wait3A_51 = tpu.memref_slice %arg7[%add3A_14, %dma_wait3A_50] : memref<10240x16xf32, #tpu.memory_space<vmem_shared>> -> memref<128x16xf32, #tpu.memory_space<vmem_shared>>
      tpu.wait_dma2 semaphore(%run_scoped3A : memref<!tpu.dma_semaphore, #tpu.memory_space<semaphore_mem>>) src(%arg6 : memref<128x16xf32, #tpu.memory_space<vmem>>) dst(%dma_wait3A_51 : memref<128x16xf32, #tpu.memory_space<vmem_shared>>)
      tpu.yield
    }) : () -> ()
    %mul3A_15 = arith.constant 640 : i32
    %mul3A_16 = arith.muli %arg1, %mul3A_15 : i32
    %add3A_17 = arith.constant 256 : i32
    %add3A_18 = arith.addi %mul3A_16, %add3A_17 : i32
    "tpu.region"() ({
      %run_scoped3A = tpu.sem_alloc : memref<!tpu.dma_semaphore, #tpu.memory_space<semaphore_mem>>
      %dma_start3A = arith.constant 0 : i32
      %dma_start3A_46 = tpu.memref_slice %arg7[%add3A_18, %dma_start3A] : memref<10240x16xf32, #tpu.memory_space<vmem_shared>> -> memref<128x16xf32, #tpu.memory_space<vmem_shared>>
      %dma_start3A_47 = arith.constant 0 : i32
      %dma_start3A_48 = tpu.memref_slice %arg7[%add3A_18, %dma_start3A_47] : memref<10240x16xf32, #tpu.memory_space<vmem_shared>> -> memref<128x16xf32, #tpu.memory_space<vmem_shared>>
      tpu.enqueue_dma source(%arg6 : memref<128x16xf32, #tpu.memory_space<vmem>>) target(%dma_start3A_48 : memref<128x16xf32, #tpu.memory_space<vmem_shared>>) target_semaphore(%run_scoped3A : memref<!tpu.dma_semaphore, #tpu.memory_space<semaphore_mem>>)
      %dma_wait3A = arith.constant 0 : i32
      %dma_wait3A_49 = tpu.memref_slice %arg7[%add3A_18, %dma_wait3A] : memref<10240x16xf32, #tpu.memory_space<vmem_shared>> -> memref<128x16xf32, #tpu.memory_space<vmem_shared>>
      %dma_wait3A_50 = arith.constant 0 : i32
      %dma_wait3A_51 = tpu.memref_slice %arg7[%add3A_18, %dma_wait3A_50] : memref<10240x16xf32, #tpu.memory_space<vmem_shared>> -> memref<128x16xf32, #tpu.memory_space<vmem_shared>>
      tpu.wait_dma2 semaphore(%run_scoped3A : memref<!tpu.dma_semaphore, #tpu.memory_space<semaphore_mem>>) src(%arg6 : memref<128x16xf32, #tpu.memory_space<vmem>>) dst(%dma_wait3A_51 : memref<128x16xf32, #tpu.memory_space<vmem_shared>>)
      tpu.yield
    }) : () -> ()
    %mul3A_19 = arith.constant 640 : i32
    %mul3A_20 = arith.muli %arg1, %mul3A_19 : i32
    %add3A_21 = arith.constant 384 : i32
    %add3A_22 = arith.addi %mul3A_20, %add3A_21 : i32
    "tpu.region"() ({
      %run_scoped3A = tpu.sem_alloc : memref<!tpu.dma_semaphore, #tpu.memory_space<semaphore_mem>>
      %dma_start3A = arith.constant 0 : i32
      %dma_start3A_46 = tpu.memref_slice %arg7[%add3A_22, %dma_start3A] : memref<10240x16xf32, #tpu.memory_space<vmem_shared>> -> memref<128x16xf32, #tpu.memory_space<vmem_shared>>
      %dma_start3A_47 = arith.constant 0 : i32
      %dma_start3A_48 = tpu.memref_slice %arg7[%add3A_22, %dma_start3A_47] : memref<10240x16xf32, #tpu.memory_space<vmem_shared>> -> memref<128x16xf32, #tpu.memory_space<vmem_shared>>
      tpu.enqueue_dma source(%arg6 : memref<128x16xf32, #tpu.memory_space<vmem>>) target(%dma_start3A_48 : memref<128x16xf32, #tpu.memory_space<vmem_shared>>) target_semaphore(%run_scoped3A : memref<!tpu.dma_semaphore, #tpu.memory_space<semaphore_mem>>)
      %dma_wait3A = arith.constant 0 : i32
      %dma_wait3A_49 = tpu.memref_slice %arg7[%add3A_22, %dma_wait3A] : memref<10240x16xf32, #tpu.memory_space<vmem_shared>> -> memref<128x16xf32, #tpu.memory_space<vmem_shared>>
      %dma_wait3A_50 = arith.constant 0 : i32
      %dma_wait3A_51 = tpu.memref_slice %arg7[%add3A_22, %dma_wait3A_50] : memref<10240x16xf32, #tpu.memory_space<vmem_shared>> -> memref<128x16xf32, #tpu.memory_space<vmem_shared>>
      tpu.wait_dma2 semaphore(%run_scoped3A : memref<!tpu.dma_semaphore, #tpu.memory_space<semaphore_mem>>) src(%arg6 : memref<128x16xf32, #tpu.memory_space<vmem>>) dst(%dma_wait3A_51 : memref<128x16xf32, #tpu.memory_space<vmem_shared>>)
      tpu.yield
    }) : () -> ()
    %mul3A_23 = arith.constant 640 : i32
    %mul3A_24 = arith.muli %arg1, %mul3A_23 : i32
    %add3A_25 = arith.constant 512 : i32
    %add3A_26 = arith.addi %mul3A_24, %add3A_25 : i32
    "tpu.region"() ({
      %run_scoped3A = tpu.sem_alloc : memref<!tpu.dma_semaphore, #tpu.memory_space<semaphore_mem>>
      %dma_start3A = arith.constant 0 : i32
      %dma_start3A_46 = tpu.memref_slice %arg7[%add3A_26, %dma_start3A] : memref<10240x16xf32, #tpu.memory_space<vmem_shared>> -> memref<128x16xf32, #tpu.memory_space<vmem_shared>>
      %dma_start3A_47 = arith.constant 0 : i32
      %dma_start3A_48 = tpu.memref_slice %arg7[%add3A_26, %dma_start3A_47] : memref<10240x16xf32, #tpu.memory_space<vmem_shared>> -> memref<128x16xf32, #tpu.memory_space<vmem_shared>>
      tpu.enqueue_dma source(%arg6 : memref<128x16xf32, #tpu.memory_space<vmem>>) target(%dma_start3A_48 : memref<128x16xf32, #tpu.memory_space<vmem_shared>>) target_semaphore(%run_scoped3A : memref<!tpu.dma_semaphore, #tpu.memory_space<semaphore_mem>>)
      %dma_wait3A = arith.constant 0 : i32
      %dma_wait3A_49 = tpu.memref_slice %arg7[%add3A_26, %dma_wait3A] : memref<10240x16xf32, #tpu.memory_space<vmem_shared>> -> memref<128x16xf32, #tpu.memory_space<vmem_shared>>
      %dma_wait3A_50 = arith.constant 0 : i32
      %dma_wait3A_51 = tpu.memref_slice %arg7[%add3A_26, %dma_wait3A_50] : memref<10240x16xf32, #tpu.memory_space<vmem_shared>> -> memref<128x16xf32, #tpu.memory_space<vmem_shared>>
      tpu.wait_dma2 semaphore(%run_scoped3A : memref<!tpu.dma_semaphore, #tpu.memory_space<semaphore_mem>>) src(%arg6 : memref<128x16xf32, #tpu.memory_space<vmem>>) dst(%dma_wait3A_51 : memref<128x16xf32, #tpu.memory_space<vmem_shared>>)
      tpu.yield
    }) : () -> ()
    %scan3A_27 = arith.constant 0 : i32
    %scan3A_28 = arith.constant 0 : i32
    %scan3A_29 = arith.constant 125 : i32
    %scan3A_30 = arith.addi %scan3A_28, %scan3A_29 : i32
    %scan3A_31 = arith.constant 1 : i32
    %scan3A_32 = scf.for %scan3A_46 = %scan3A_28 to %scan3A_30 step %scan3A_31 iter_args(%scan3A_47 = %scan3A_27) -> (i32)  : i32 {
      %broadcast_in_dim3A = arith.constant 1.000000e+00 : f32
      %broadcast_in_dim3A_48 = vector.broadcast %broadcast_in_dim3A : f32 to vector<16xf32>
      %swap3A = arith.index_cast %scan3A_46 : i32 to index
      %swap3A_49 = arith.constant 0 : index
      %swap3A_50 = tpu.vector_load %arg5[%swap3A, %swap3A_49] {strides = array<i32>} : memref<125x16xf32, #tpu.memory_space<vmem>>, vector<1x16xf32>,
      %swap3A_51 = vector.shape_cast %swap3A_50 : vector<1x16xf32> to vector<16xf32>
      %swap3A_52 = vector.shape_cast %broadcast_in_dim3A_48 : vector<16xf32> to vector<1x16xf32>
      tpu.vector_store %arg5[%swap3A, %swap3A_49], %swap3A_52 {strides = array<i32>} : memref<125x16xf32, #tpu.memory_space<vmem>>, vector<1x16xf32>,
      %scan3A_53 = arith.constant 0 : i32
      scf.yield %scan3A_53 : i32
    }
    %scan3A_33 = arith.constant 125 : i32
    "tpu.region"() ({
      %run_scoped3A = tpu.sem_alloc : memref<!tpu.dma_semaphore, #tpu.memory_space<semaphore_mem>>
      %dma_start3A = arith.constant 0 : i32
      %dma_start3A_46 = arith.constant 0 : i32
      %dma_start3A_47 = tpu.memref_slice %arg2[%add3A, %dma_start3A, %dma_start3A_46] : memref<32x80x125xi32, #tpu.memory_space<hbm>> -> memref<1x80x125xi32, #tpu.memory_space<hbm>>
      %dma_start3A_48 = tpu.memref_squeeze %dma_start3A_47 : memref<1x80x125xi32, #tpu.memory_space<hbm>> -> memref<80x125xi32, #tpu.memory_space<hbm>>
      %dma_start3A_49 = arith.constant 0 : i32
      %dma_start3A_50 = arith.constant 0 : i32
      %dma_start3A_51 = tpu.memref_slice %arg2[%add3A, %dma_start3A_49, %dma_start3A_50] : memref<32x80x125xi32, #tpu.memory_space<hbm>> -> memref<1x80x125xi32, #tpu.memory_space<hbm>>
      %dma_start3A_52 = tpu.memref_squeeze %dma_start3A_51 : memref<1x80x125xi32, #tpu.memory_space<hbm>> -> memref<80x125xi32, #tpu.memory_space<hbm>>
      tpu.enqueue_dma source(%dma_start3A_52 : memref<80x125xi32, #tpu.memory_space<hbm>>) target(%arg4 : memref<80x125xi32, #tpu.memory_space<vmem>>) target_semaphore(%run_scoped3A : memref<!tpu.dma_semaphore, #tpu.memory_space<semaphore_mem>>)
      %dma_wait3A = arith.constant 0 : i32
      %dma_wait3A_53 = arith.constant 0 : i32
      %dma_wait3A_54 = tpu.memref_slice %arg2[%add3A, %dma_wait3A, %dma_wait3A_53] : memref<32x80x125xi32, #tpu.memory_space<hbm>> -> memref<1x80x125xi32, #tpu.memory_space<hbm>>
      %dma_wait3A_55 = tpu.memref_squeeze %dma_wait3A_54 : memref<1x80x125xi32, #tpu.memory_space<hbm>> -> memref<80x125xi32, #tpu.memory_space<hbm>>
      %dma_wait3A_56 = arith.constant 0 : i32
      %dma_wait3A_57 = arith.constant 0 : i32
      %dma_wait3A_58 = tpu.memref_slice %arg2[%add3A, %dma_wait3A_56, %dma_wait3A_57] : memref<32x80x125xi32, #tpu.memory_space<hbm>> -> memref<1x80x125xi32, #tpu.memory_space<hbm>>
      %dma_wait3A_59 = tpu.memref_squeeze %dma_wait3A_58 : memref<1x80x125xi32, #tpu.memory_space<hbm>> -> memref<80x125xi32, #tpu.memory_space<hbm>>
      tpu.wait_dma2 semaphore(%run_scoped3A : memref<!tpu.dma_semaphore, #tpu.memory_space<semaphore_mem>>) src(%dma_wait3A_59 : memref<80x125xi32, #tpu.memory_space<hbm>>) dst(%arg4 : memref<80x125xi32, #tpu.memory_space<vmem>>)
      tpu.yield
    }) : () -> ()
    %barrier3A = arith.constant 0 : index
    tpu.barrier barrier_id(%barrier3A)
    %scan3A_34 = arith.constant 0 : i32
    %scan3A_35 = arith.constant 0 : i32
    %scan3A_36 = arith.constant 80 : i32
    %scan3A_37 = arith.addi %scan3A_35, %scan3A_36 : i32
    %scan3A_38 = arith.constant 1 : i32
    %scan3A_39 = scf.for %scan3A_46 = %scan3A_35 to %scan3A_37 step %scan3A_38 iter_args(%scan3A_47 = %scan3A_34) -> (i32)  : i32 {
      "tpu.region"() ({
        %run_scoped3A = tpu.sem_alloc : memref<!tpu.dma_semaphore, #tpu.memory_space<semaphore_mem>>
        %dma_start3A = arith.constant 0 : i32
        %dma_start3A_49 = tpu.memref_slice %arg4[%scan3A_46, %dma_start3A] : memref<80x125xi32, #tpu.memory_space<vmem>> -> memref<1x125xi32, #tpu.memory_space<vmem>>
        %dma_start3A_50 = tpu.memref_squeeze %dma_start3A_49 : memref<1x125xi32, #tpu.memory_space<vmem>> -> memref<125xi32, #tpu.memory_space<vmem>>
        %dma_start3A_51 = arith.constant 0 : i32
        %dma_start3A_52 = arith.constant 0 : i32
        %dma_start3A_53 = tpu.memref_slice %arg7[%dma_start3A_51, %dma_start3A_52] : memref<10240x16xf32, #tpu.memory_space<vmem_shared>> -> memref<10240x16xf32, #tpu.memory_space<vmem_shared>>
        tpu.enqueue_indirect_dma source(%arg5 : memref<125x16xf32, #tpu.memory_space<vmem>>) target(%dma_start3A_53 : memref<10240x16xf32, #tpu.memory_space<vmem_shared>>) offsets(%dma_start3A_50 : memref<125xi32, #tpu.memory_space<vmem>>) semaphore(%run_scoped3A : memref<!tpu.dma_semaphore, #tpu.memory_space<semaphore_mem>>) {add = true}
        %dma_wait3A = arith.constant 0 : i32
        %dma_wait3A_54 = tpu.memref_slice %arg4[%scan3A_46, %dma_wait3A] : memref<80x125xi32, #tpu.memory_space<vmem>> -> memref<1x125xi32, #tpu.memory_space<vmem>>
        %dma_wait3A_55 = tpu.memref_squeeze %dma_wait3A_54 : memref<1x125xi32, #tpu.memory_space<vmem>> -> memref<125xi32, #tpu.memory_space<vmem>>
        %dma_wait3A_56 = arith.constant 0 : i32
        %dma_wait3A_57 = arith.constant 0 : i32
        %dma_wait3A_58 = tpu.memref_slice %arg7[%dma_wait3A_56, %dma_wait3A_57] : memref<10240x16xf32, #tpu.memory_space<vmem_shared>> -> memref<10240x16xf32, #tpu.memory_space<vmem_shared>>
        tpu.wait_indirect_dma semaphore(%run_scoped3A : memref<!tpu.dma_semaphore, #tpu.memory_space<semaphore_mem>>) src(%arg5 : memref<125x16xf32, #tpu.memory_space<vmem>>) dst(%dma_wait3A_58 : memref<10240x16xf32, #tpu.memory_space<vmem_shared>>)
        tpu.yield
      }) : () -> ()
      %scan3A_48 = arith.constant 0 : i32
      scf.yield %scan3A_48 : i32
    }
    %scan3A_40 = arith.constant 80 : i32
    %barrier3A_41 = arith.constant 0 : index
    tpu.barrier barrier_id(%barrier3A_41)
    %mul3A_42 = arith.constant 640 : i32
    %mul3A_43 = arith.muli %arg1, %mul3A_42 : i32
    %mul3A_44 = arith.constant 640 : i32
    %mul3A_45 = arith.muli %arg1, %mul3A_44 : i32
    "tpu.region"() ({
      %run_scoped3A = tpu.sem_alloc : memref<!tpu.dma_semaphore, #tpu.memory_space<semaphore_mem>>
      %dma_start3A = arith.constant 0 : i32
      %dma_start3A_46 = tpu.memref_slice %arg3[%arg0, %mul3A_45, %dma_start3A] : memref<2x10240x16xf32, #tpu.memory_space<hbm>> -> memref<1x640x16xf32, #tpu.memory_space<hbm>>
      %dma_start3A_47 = tpu.memref_squeeze %dma_start3A_46 : memref<1x640x16xf32, #tpu.memory_space<hbm>> -> memref<640x16xf32, #tpu.memory_space<hbm>>
      %dma_start3A_48 = arith.constant 0 : i32
      %dma_start3A_49 = tpu.memref_slice %arg7[%mul3A_43, %dma_start3A_48] : memref<10240x16xf32, #tpu.memory_space<vmem_shared>> -> memref<640x16xf32, #tpu.memory_space<vmem_shared>>
      tpu.enqueue_dma source(%dma_start3A_49 : memref<640x16xf32, #tpu.memory_space<vmem_shared>>) target(%dma_start3A_47 : memref<640x16xf32, #tpu.memory_space<hbm>>) target_semaphore(%run_scoped3A : memref<!tpu.dma_semaphore, #tpu.memory_space<semaphore_mem>>)
      %dma_wait3A = arith.constant 0 : i32
      %dma_wait3A_50 = tpu.memref_slice %arg3[%arg0, %mul3A_45, %dma_wait3A] : memref<2x10240x16xf32, #tpu.memory_space<hbm>> -> memref<1x640x16xf32, #tpu.memory_space<hbm>>
      %dma_wait3A_51 = tpu.memref_squeeze %dma_wait3A_50 : memref<1x640x16xf32, #tpu.memory_space<hbm>> -> memref<640x16xf32, #tpu.memory_space<hbm>>
      %dma_wait3A_52 = arith.constant 0 : i32
      %dma_wait3A_53 = tpu.memref_slice %arg7[%mul3A_43, %dma_wait3A_52] : memref<10240x16xf32, #tpu.memory_space<vmem_shared>> -> memref<640x16xf32, #tpu.memory_space<vmem_shared>>
      tpu.wait_dma2 semaphore(%run_scoped3A : memref<!tpu.dma_semaphore, #tpu.memory_space<semaphore_mem>>) src(%dma_wait3A_53 : memref<640x16xf32, #tpu.memory_space<vmem_shared>>) dst(%dma_wait3A_51 : memref<640x16xf32, #tpu.memory_space<hbm>>)
      tpu.yield
    }) : () -> ()
    return
  }
}

#map = affine_map<(d0, d1) -> (0, 0)>
#map1 = affine_map<(d0, d1) -> (0, 0, 0)>
module attributes {stable_mosaic.version = 14 : i64} {
  func.func @_agg_kernel(%arg0: i32, %arg1: i32, %arg2: memref<10000x128xf32, #tpu.memory_space<hbm>>, %arg3: memref<32x80x125xi32, #tpu.memory_space<hbm>>, %arg4: memref<32x80x125xi32, #tpu.memory_space<hbm>>, %arg5: memref<10240x128xf32, #tpu.memory_space<hbm>>, %arg6: memref<2x10240x128xf32, #tpu.memory_space<hbm>>, %arg7: memref<80x125xi32, #tpu.memory_space<vmem>>, %arg8: memref<80x125xi32, #tpu.memory_space<vmem>>, %arg9: memref<125x128xf32, #tpu.memory_space<vmem>>, %arg10: memref<10240x128xf32, #tpu.memory_space<vmem_shared>>, %arg11: memref<!tpu.dma_semaphore, #tpu.memory_space<semaphore_mem>>) attributes {dimension_semantics = [#tpu.dimension_semantics<core_parallel>, #tpu.dimension_semantics<subcore_parallel>], iteration_bounds = array<i64: 2, 16>, scalar_prefetch = 0 : i64, scratch_operands = 5 : i64, tpu.core_type = #tpu.core_type<sc_vector_subcore>, window_params = [{transform_indices = #map}, {transform_indices = #map1}, {transform_indices = #map1}, {transform_indices = #map}, {transform_indices = #map1}]} {
    %mul3A = arith.constant 16 : i32
    %mul3A_0 = arith.muli %arg0, %mul3A : i32
    %add3A = arith.addi %mul3A_0, %arg1 : i32
    %mul3A_1 = arith.constant 640 : i32
    %mul3A_2 = arith.muli %arg1, %mul3A_1 : i32
    %mul3A_3 = arith.constant 640 : i32
    %mul3A_4 = arith.muli %arg1, %mul3A_3 : i32
    "tpu.region"() ({
      %run_scoped3A = tpu.sem_alloc : memref<!tpu.dma_semaphore, #tpu.memory_space<semaphore_mem>>
      %dma_start3A = arith.constant 0 : i32
      %dma_start3A_16 = tpu.memref_slice %arg10[%mul3A_4, %dma_start3A] : memref<10240x128xf32, #tpu.memory_space<vmem_shared>> -> memref<640x128xf32, #tpu.memory_space<vmem_shared>>
      %dma_start3A_17 = arith.constant 0 : i32
      %dma_start3A_18 = tpu.memref_slice %arg5[%mul3A_2, %dma_start3A_17] : memref<10240x128xf32, #tpu.memory_space<hbm>> -> memref<640x128xf32, #tpu.memory_space<hbm>>
      tpu.enqueue_dma source(%dma_start3A_18 : memref<640x128xf32, #tpu.memory_space<hbm>>) target(%dma_start3A_16 : memref<640x128xf32, #tpu.memory_space<vmem_shared>>) target_semaphore(%run_scoped3A : memref<!tpu.dma_semaphore, #tpu.memory_space<semaphore_mem>>)
      %dma_wait3A = arith.constant 0 : i32
      %dma_wait3A_19 = tpu.memref_slice %arg10[%mul3A_4, %dma_wait3A] : memref<10240x128xf32, #tpu.memory_space<vmem_shared>> -> memref<640x128xf32, #tpu.memory_space<vmem_shared>>
      %dma_wait3A_20 = arith.constant 0 : i32
      %dma_wait3A_21 = tpu.memref_slice %arg5[%mul3A_2, %dma_wait3A_20] : memref<10240x128xf32, #tpu.memory_space<hbm>> -> memref<640x128xf32, #tpu.memory_space<hbm>>
      tpu.wait_dma2 semaphore(%run_scoped3A : memref<!tpu.dma_semaphore, #tpu.memory_space<semaphore_mem>>) src(%dma_wait3A_21 : memref<640x128xf32, #tpu.memory_space<hbm>>) dst(%dma_wait3A_19 : memref<640x128xf32, #tpu.memory_space<vmem_shared>>)
      tpu.yield
    }) : () -> ()
    "tpu.region"() ({
      %run_scoped3A = tpu.sem_alloc : memref<!tpu.dma_semaphore, #tpu.memory_space<semaphore_mem>>
      %dma_start3A = arith.constant 0 : i32
      %dma_start3A_16 = arith.constant 0 : i32
      %dma_start3A_17 = tpu.memref_slice %arg3[%add3A, %dma_start3A, %dma_start3A_16] : memref<32x80x125xi32, #tpu.memory_space<hbm>> -> memref<1x80x125xi32, #tpu.memory_space<hbm>>
      %dma_start3A_18 = tpu.memref_squeeze %dma_start3A_17 : memref<1x80x125xi32, #tpu.memory_space<hbm>> -> memref<80x125xi32, #tpu.memory_space<hbm>>
      %dma_start3A_19 = arith.constant 0 : i32
      %dma_start3A_20 = arith.constant 0 : i32
      %dma_start3A_21 = tpu.memref_slice %arg3[%add3A, %dma_start3A_19, %dma_start3A_20] : memref<32x80x125xi32, #tpu.memory_space<hbm>> -> memref<1x80x125xi32, #tpu.memory_space<hbm>>
      %dma_start3A_22 = tpu.memref_squeeze %dma_start3A_21 : memref<1x80x125xi32, #tpu.memory_space<hbm>> -> memref<80x125xi32, #tpu.memory_space<hbm>>
      tpu.enqueue_dma source(%dma_start3A_22 : memref<80x125xi32, #tpu.memory_space<hbm>>) target(%arg7 : memref<80x125xi32, #tpu.memory_space<vmem>>) target_semaphore(%run_scoped3A : memref<!tpu.dma_semaphore, #tpu.memory_space<semaphore_mem>>)
      %dma_wait3A = arith.constant 0 : i32
      %dma_wait3A_23 = arith.constant 0 : i32
      %dma_wait3A_24 = tpu.memref_slice %arg3[%add3A, %dma_wait3A, %dma_wait3A_23] : memref<32x80x125xi32, #tpu.memory_space<hbm>> -> memref<1x80x125xi32, #tpu.memory_space<hbm>>
      %dma_wait3A_25 = tpu.memref_squeeze %dma_wait3A_24 : memref<1x80x125xi32, #tpu.memory_space<hbm>> -> memref<80x125xi32, #tpu.memory_space<hbm>>
      %dma_wait3A_26 = arith.constant 0 : i32
      %dma_wait3A_27 = arith.constant 0 : i32
      %dma_wait3A_28 = tpu.memref_slice %arg3[%add3A, %dma_wait3A_26, %dma_wait3A_27] : memref<32x80x125xi32, #tpu.memory_space<hbm>> -> memref<1x80x125xi32, #tpu.memory_space<hbm>>
      %dma_wait3A_29 = tpu.memref_squeeze %dma_wait3A_28 : memref<1x80x125xi32, #tpu.memory_space<hbm>> -> memref<80x125xi32, #tpu.memory_space<hbm>>
      tpu.wait_dma2 semaphore(%run_scoped3A : memref<!tpu.dma_semaphore, #tpu.memory_space<semaphore_mem>>) src(%dma_wait3A_29 : memref<80x125xi32, #tpu.memory_space<hbm>>) dst(%arg7 : memref<80x125xi32, #tpu.memory_space<vmem>>)
      tpu.yield
    }) : () -> ()
    "tpu.region"() ({
      %run_scoped3A = tpu.sem_alloc : memref<!tpu.dma_semaphore, #tpu.memory_space<semaphore_mem>>
      %dma_start3A = arith.constant 0 : i32
      %dma_start3A_16 = arith.constant 0 : i32
      %dma_start3A_17 = tpu.memref_slice %arg4[%add3A, %dma_start3A, %dma_start3A_16] : memref<32x80x125xi32, #tpu.memory_space<hbm>> -> memref<1x80x125xi32, #tpu.memory_space<hbm>>
      %dma_start3A_18 = tpu.memref_squeeze %dma_start3A_17 : memref<1x80x125xi32, #tpu.memory_space<hbm>> -> memref<80x125xi32, #tpu.memory_space<hbm>>
      %dma_start3A_19 = arith.constant 0 : i32
      %dma_start3A_20 = arith.constant 0 : i32
      %dma_start3A_21 = tpu.memref_slice %arg4[%add3A, %dma_start3A_19, %dma_start3A_20] : memref<32x80x125xi32, #tpu.memory_space<hbm>> -> memref<1x80x125xi32, #tpu.memory_space<hbm>>
      %dma_start3A_22 = tpu.memref_squeeze %dma_start3A_21 : memref<1x80x125xi32, #tpu.memory_space<hbm>> -> memref<80x125xi32, #tpu.memory_space<hbm>>
      tpu.enqueue_dma source(%dma_start3A_22 : memref<80x125xi32, #tpu.memory_space<hbm>>) target(%arg8 : memref<80x125xi32, #tpu.memory_space<vmem>>) target_semaphore(%run_scoped3A : memref<!tpu.dma_semaphore, #tpu.memory_space<semaphore_mem>>)
      %dma_wait3A = arith.constant 0 : i32
      %dma_wait3A_23 = arith.constant 0 : i32
      %dma_wait3A_24 = tpu.memref_slice %arg4[%add3A, %dma_wait3A, %dma_wait3A_23] : memref<32x80x125xi32, #tpu.memory_space<hbm>> -> memref<1x80x125xi32, #tpu.memory_space<hbm>>
      %dma_wait3A_25 = tpu.memref_squeeze %dma_wait3A_24 : memref<1x80x125xi32, #tpu.memory_space<hbm>> -> memref<80x125xi32, #tpu.memory_space<hbm>>
      %dma_wait3A_26 = arith.constant 0 : i32
      %dma_wait3A_27 = arith.constant 0 : i32
      %dma_wait3A_28 = tpu.memref_slice %arg4[%add3A, %dma_wait3A_26, %dma_wait3A_27] : memref<32x80x125xi32, #tpu.memory_space<hbm>> -> memref<1x80x125xi32, #tpu.memory_space<hbm>>
      %dma_wait3A_29 = tpu.memref_squeeze %dma_wait3A_28 : memref<1x80x125xi32, #tpu.memory_space<hbm>> -> memref<80x125xi32, #tpu.memory_space<hbm>>
      tpu.wait_dma2 semaphore(%run_scoped3A : memref<!tpu.dma_semaphore, #tpu.memory_space<semaphore_mem>>) src(%dma_wait3A_29 : memref<80x125xi32, #tpu.memory_space<hbm>>) dst(%arg8 : memref<80x125xi32, #tpu.memory_space<vmem>>)
      tpu.yield
    }) : () -> ()
    %barrier3A = arith.constant 0 : index
    tpu.barrier barrier_id(%barrier3A)
    %scan3A = arith.constant 0 : i32
    %scan3A_5 = arith.constant 0 : i32
    %scan3A_6 = arith.constant 80 : i32
    %scan3A_7 = arith.addi %scan3A_5, %scan3A_6 : i32
    %scan3A_8 = arith.constant 1 : i32
    %scan3A_9 = scf.for %scan3A_16 = %scan3A_5 to %scan3A_7 step %scan3A_8 iter_args(%scan3A_17 = %scan3A) -> (i32)  : i32 {
      %dma_start3A = arith.constant 0 : i32
      %dma_start3A_18 = tpu.memref_slice %arg7[%scan3A_16, %dma_start3A] : memref<80x125xi32, #tpu.memory_space<vmem>> -> memref<1x125xi32, #tpu.memory_space<vmem>>
      %dma_start3A_19 = tpu.memref_squeeze %dma_start3A_18 : memref<1x125xi32, #tpu.memory_space<vmem>> -> memref<125xi32, #tpu.memory_space<vmem>>
      %dma_start3A_20 = arith.constant 0 : i32
      %dma_start3A_21 = arith.constant 0 : i32
      %dma_start3A_22 = tpu.memref_slice %arg2[%dma_start3A_20, %dma_start3A_21] : memref<10000x128xf32, #tpu.memory_space<hbm>> -> memref<10000x128xf32, #tpu.memory_space<hbm>>
      tpu.enqueue_indirect_dma source(%dma_start3A_22 : memref<10000x128xf32, #tpu.memory_space<hbm>>) target(%arg9 : memref<125x128xf32, #tpu.memory_space<vmem>>) offsets(%dma_start3A_19 : memref<125xi32, #tpu.memory_space<vmem>>) semaphore(%arg11 : memref<!tpu.dma_semaphore, #tpu.memory_space<semaphore_mem>>)
      %dma_wait3A = arith.constant 0 : i32
      %dma_wait3A_23 = tpu.memref_slice %arg7[%scan3A_16, %dma_wait3A] : memref<80x125xi32, #tpu.memory_space<vmem>> -> memref<1x125xi32, #tpu.memory_space<vmem>>
      %dma_wait3A_24 = tpu.memref_squeeze %dma_wait3A_23 : memref<1x125xi32, #tpu.memory_space<vmem>> -> memref<125xi32, #tpu.memory_space<vmem>>
      %dma_wait3A_25 = arith.constant 0 : i32
      %dma_wait3A_26 = arith.constant 0 : i32
      %dma_wait3A_27 = tpu.memref_slice %arg2[%dma_wait3A_25, %dma_wait3A_26] : memref<10000x128xf32, #tpu.memory_space<hbm>> -> memref<10000x128xf32, #tpu.memory_space<hbm>>
      tpu.wait_indirect_dma semaphore(%arg11 : memref<!tpu.dma_semaphore, #tpu.memory_space<semaphore_mem>>) src(%dma_wait3A_27 : memref<10000x128xf32, #tpu.memory_space<hbm>>) dst(%arg9 : memref<125x128xf32, #tpu.memory_space<vmem>>)
      "tpu.region"() ({
        %run_scoped3A = tpu.sem_alloc : memref<!tpu.dma_semaphore, #tpu.memory_space<semaphore_mem>>
        %dma_start3A_29 = arith.constant 0 : i32
        %dma_start3A_30 = tpu.memref_slice %arg8[%scan3A_16, %dma_start3A_29] : memref<80x125xi32, #tpu.memory_space<vmem>> -> memref<1x125xi32, #tpu.memory_space<vmem>>
        %dma_start3A_31 = tpu.memref_squeeze %dma_start3A_30 : memref<1x125xi32, #tpu.memory_space<vmem>> -> memref<125xi32, #tpu.memory_space<vmem>>
        %dma_start3A_32 = arith.constant 0 : i32
        %dma_start3A_33 = arith.constant 0 : i32
        %dma_start3A_34 = tpu.memref_slice %arg10[%dma_start3A_32, %dma_start3A_33] : memref<10240x128xf32, #tpu.memory_space<vmem_shared>> -> memref<10240x128xf32, #tpu.memory_space<vmem_shared>>
        tpu.enqueue_indirect_dma source(%arg9 : memref<125x128xf32, #tpu.memory_space<vmem>>) target(%dma_start3A_34 : memref<10240x128xf32, #tpu.memory_space<vmem_shared>>) offsets(%dma_start3A_31 : memref<125xi32, #tpu.memory_space<vmem>>) semaphore(%run_scoped3A : memref<!tpu.dma_semaphore, #tpu.memory_space<semaphore_mem>>) {add = true}
        %dma_wait3A_35 = arith.constant 0 : i32
        %dma_wait3A_36 = tpu.memref_slice %arg8[%scan3A_16, %dma_wait3A_35] : memref<80x125xi32, #tpu.memory_space<vmem>> -> memref<1x125xi32, #tpu.memory_space<vmem>>
        %dma_wait3A_37 = tpu.memref_squeeze %dma_wait3A_36 : memref<1x125xi32, #tpu.memory_space<vmem>> -> memref<125xi32, #tpu.memory_space<vmem>>
        %dma_wait3A_38 = arith.constant 0 : i32
        %dma_wait3A_39 = arith.constant 0 : i32
        %dma_wait3A_40 = tpu.memref_slice %arg10[%dma_wait3A_38, %dma_wait3A_39] : memref<10240x128xf32, #tpu.memory_space<vmem_shared>> -> memref<10240x128xf32, #tpu.memory_space<vmem_shared>>
        tpu.wait_indirect_dma semaphore(%run_scoped3A : memref<!tpu.dma_semaphore, #tpu.memory_space<semaphore_mem>>) src(%arg9 : memref<125x128xf32, #tpu.memory_space<vmem>>) dst(%dma_wait3A_40 : memref<10240x128xf32, #tpu.memory_space<vmem_shared>>)
        tpu.yield
      }) : () -> ()
      %scan3A_28 = arith.constant 0 : i32
      scf.yield %scan3A_28 : i32
    }
    %scan3A_10 = arith.constant 80 : i32
    %barrier3A_11 = arith.constant 0 : index
    tpu.barrier barrier_id(%barrier3A_11)
    %mul3A_12 = arith.constant 640 : i32
    %mul3A_13 = arith.muli %arg1, %mul3A_12 : i32
    %mul3A_14 = arith.constant 640 : i32
    %mul3A_15 = arith.muli %arg1, %mul3A_14 : i32
    "tpu.region"() ({
      %run_scoped3A = tpu.sem_alloc : memref<!tpu.dma_semaphore, #tpu.memory_space<semaphore_mem>>
      %dma_start3A = arith.constant 0 : i32
      %dma_start3A_16 = tpu.memref_slice %arg6[%arg0, %mul3A_15, %dma_start3A] : memref<2x10240x128xf32, #tpu.memory_space<hbm>> -> memref<1x640x128xf32, #tpu.memory_space<hbm>>
      %dma_start3A_17 = tpu.memref_squeeze %dma_start3A_16 : memref<1x640x128xf32, #tpu.memory_space<hbm>> -> memref<640x128xf32, #tpu.memory_space<hbm>>
      %dma_start3A_18 = arith.constant 0 : i32
      %dma_start3A_19 = tpu.memref_slice %arg10[%mul3A_13, %dma_start3A_18] : memref<10240x128xf32, #tpu.memory_space<vmem_shared>> -> memref<640x128xf32, #tpu.memory_space<vmem_shared>>
      tpu.enqueue_dma source(%dma_start3A_19 : memref<640x128xf32, #tpu.memory_space<vmem_shared>>) target(%dma_start3A_17 : memref<640x128xf32, #tpu.memory_space<hbm>>) target_semaphore(%run_scoped3A : memref<!tpu.dma_semaphore, #tpu.memory_space<semaphore_mem>>)
      %dma_wait3A = arith.constant 0 : i32
      %dma_wait3A_20 = tpu.memref_slice %arg6[%arg0, %mul3A_15, %dma_wait3A] : memref<2x10240x128xf32, #tpu.memory_space<hbm>> -> memref<1x640x128xf32, #tpu.memory_space<hbm>>
      %dma_wait3A_21 = tpu.memref_squeeze %dma_wait3A_20 : memref<1x640x128xf32, #tpu.memory_space<hbm>> -> memref<640x128xf32, #tpu.memory_space<hbm>>
      %dma_wait3A_22 = arith.constant 0 : i32
      %dma_wait3A_23 = tpu.memref_slice %arg10[%mul3A_13, %dma_wait3A_22] : memref<10240x128xf32, #tpu.memory_space<vmem_shared>> -> memref<640x128xf32, #tpu.memory_space<vmem_shared>>
      tpu.wait_dma2 semaphore(%run_scoped3A : memref<!tpu.dma_semaphore, #tpu.memory_space<semaphore_mem>>) src(%dma_wait3A_23 : memref<640x128xf32, #tpu.memory_space<vmem_shared>>) dst(%dma_wait3A_21 : memref<640x128xf32, #tpu.memory_space<hbm>>)
      tpu.yield
    }) : () -> ()
    return
  }
}

#map = affine_map<(d0, d1) -> (0, 0)>
#map1 = affine_map<(d0, d1) -> (0, 0, 0)>
module attributes {stable_mosaic.version = 14 : i64} {
  func.func @_agg_kernel(%arg0: i32, %arg1: i32, %arg2: memref<10000x128xf32, #tpu.memory_space<hbm>>, %arg3: memref<32x80x125xi32, #tpu.memory_space<hbm>>, %arg4: memref<32x80x125xi32, #tpu.memory_space<hbm>>, %arg5: memref<10240x128xf32, #tpu.memory_space<hbm>>, %arg6: memref<2x10240x128xf32, #tpu.memory_space<hbm>>, %arg7: memref<80x125xi32, #tpu.memory_space<vmem>>, %arg8: memref<80x125xi32, #tpu.memory_space<vmem>>, %arg9: memref<125x128xf32, #tpu.memory_space<vmem>>, %arg10: memref<10240x128xf32, #tpu.memory_space<vmem_shared>>, %arg11: memref<!tpu.dma_semaphore, #tpu.memory_space<semaphore_mem>>) attributes {dimension_semantics = [#tpu.dimension_semantics<core_parallel>, #tpu.dimension_semantics<subcore_parallel>], iteration_bounds = array<i64: 2, 16>, scalar_prefetch = 0 : i64, scratch_operands = 5 : i64, tpu.core_type = #tpu.core_type<sc_vector_subcore>, window_params = [{transform_indices = #map}, {transform_indices = #map1}, {transform_indices = #map1}, {transform_indices = #map}, {transform_indices = #map1}]} {
    %mul3A = arith.constant 16 : i32
    %mul3A_0 = arith.muli %arg0, %mul3A : i32
    %add3A = arith.addi %mul3A_0, %arg1 : i32
    %mul3A_1 = arith.constant 640 : i32
    %mul3A_2 = arith.muli %arg1, %mul3A_1 : i32
    %mul3A_3 = arith.constant 640 : i32
    %mul3A_4 = arith.muli %arg1, %mul3A_3 : i32
    "tpu.region"() ({
      %run_scoped3A = tpu.sem_alloc : memref<!tpu.dma_semaphore, #tpu.memory_space<semaphore_mem>>
      %dma_start3A = arith.constant 0 : i32
      %dma_start3A_16 = tpu.memref_slice %arg10[%mul3A_4, %dma_start3A] : memref<10240x128xf32, #tpu.memory_space<vmem_shared>> -> memref<640x128xf32, #tpu.memory_space<vmem_shared>>
      %dma_start3A_17 = arith.constant 0 : i32
      %dma_start3A_18 = tpu.memref_slice %arg5[%mul3A_2, %dma_start3A_17] : memref<10240x128xf32, #tpu.memory_space<hbm>> -> memref<640x128xf32, #tpu.memory_space<hbm>>
      tpu.enqueue_dma source(%dma_start3A_18 : memref<640x128xf32, #tpu.memory_space<hbm>>) target(%dma_start3A_16 : memref<640x128xf32, #tpu.memory_space<vmem_shared>>) target_semaphore(%run_scoped3A : memref<!tpu.dma_semaphore, #tpu.memory_space<semaphore_mem>>)
      %dma_wait3A = arith.constant 0 : i32
      %dma_wait3A_19 = tpu.memref_slice %arg10[%mul3A_4, %dma_wait3A] : memref<10240x128xf32, #tpu.memory_space<vmem_shared>> -> memref<640x128xf32, #tpu.memory_space<vmem_shared>>
      %dma_wait3A_20 = arith.constant 0 : i32
      %dma_wait3A_21 = tpu.memref_slice %arg5[%mul3A_2, %dma_wait3A_20] : memref<10240x128xf32, #tpu.memory_space<hbm>> -> memref<640x128xf32, #tpu.memory_space<hbm>>
      tpu.wait_dma2 semaphore(%run_scoped3A : memref<!tpu.dma_semaphore, #tpu.memory_space<semaphore_mem>>) src(%dma_wait3A_21 : memref<640x128xf32, #tpu.memory_space<hbm>>) dst(%dma_wait3A_19 : memref<640x128xf32, #tpu.memory_space<vmem_shared>>)
      tpu.yield
    }) : () -> ()
    "tpu.region"() ({
      %run_scoped3A = tpu.sem_alloc : memref<!tpu.dma_semaphore, #tpu.memory_space<semaphore_mem>>
      %dma_start3A = arith.constant 0 : i32
      %dma_start3A_16 = arith.constant 0 : i32
      %dma_start3A_17 = tpu.memref_slice %arg3[%add3A, %dma_start3A, %dma_start3A_16] : memref<32x80x125xi32, #tpu.memory_space<hbm>> -> memref<1x80x125xi32, #tpu.memory_space<hbm>>
      %dma_start3A_18 = tpu.memref_squeeze %dma_start3A_17 : memref<1x80x125xi32, #tpu.memory_space<hbm>> -> memref<80x125xi32, #tpu.memory_space<hbm>>
      %dma_start3A_19 = arith.constant 0 : i32
      %dma_start3A_20 = arith.constant 0 : i32
      %dma_start3A_21 = tpu.memref_slice %arg3[%add3A, %dma_start3A_19, %dma_start3A_20] : memref<32x80x125xi32, #tpu.memory_space<hbm>> -> memref<1x80x125xi32, #tpu.memory_space<hbm>>
      %dma_start3A_22 = tpu.memref_squeeze %dma_start3A_21 : memref<1x80x125xi32, #tpu.memory_space<hbm>> -> memref<80x125xi32, #tpu.memory_space<hbm>>
      tpu.enqueue_dma source(%dma_start3A_22 : memref<80x125xi32, #tpu.memory_space<hbm>>) target(%arg7 : memref<80x125xi32, #tpu.memory_space<vmem>>) target_semaphore(%run_scoped3A : memref<!tpu.dma_semaphore, #tpu.memory_space<semaphore_mem>>)
      %dma_wait3A = arith.constant 0 : i32
      %dma_wait3A_23 = arith.constant 0 : i32
      %dma_wait3A_24 = tpu.memref_slice %arg3[%add3A, %dma_wait3A, %dma_wait3A_23] : memref<32x80x125xi32, #tpu.memory_space<hbm>> -> memref<1x80x125xi32, #tpu.memory_space<hbm>>
      %dma_wait3A_25 = tpu.memref_squeeze %dma_wait3A_24 : memref<1x80x125xi32, #tpu.memory_space<hbm>> -> memref<80x125xi32, #tpu.memory_space<hbm>>
      %dma_wait3A_26 = arith.constant 0 : i32
      %dma_wait3A_27 = arith.constant 0 : i32
      %dma_wait3A_28 = tpu.memref_slice %arg3[%add3A, %dma_wait3A_26, %dma_wait3A_27] : memref<32x80x125xi32, #tpu.memory_space<hbm>> -> memref<1x80x125xi32, #tpu.memory_space<hbm>>
      %dma_wait3A_29 = tpu.memref_squeeze %dma_wait3A_28 : memref<1x80x125xi32, #tpu.memory_space<hbm>> -> memref<80x125xi32, #tpu.memory_space<hbm>>
      tpu.wait_dma2 semaphore(%run_scoped3A : memref<!tpu.dma_semaphore, #tpu.memory_space<semaphore_mem>>) src(%dma_wait3A_29 : memref<80x125xi32, #tpu.memory_space<hbm>>) dst(%arg7 : memref<80x125xi32, #tpu.memory_space<vmem>>)
      tpu.yield
    }) : () -> ()
    "tpu.region"() ({
      %run_scoped3A = tpu.sem_alloc : memref<!tpu.dma_semaphore, #tpu.memory_space<semaphore_mem>>
      %dma_start3A = arith.constant 0 : i32
      %dma_start3A_16 = arith.constant 0 : i32
      %dma_start3A_17 = tpu.memref_slice %arg4[%add3A, %dma_start3A, %dma_start3A_16] : memref<32x80x125xi32, #tpu.memory_space<hbm>> -> memref<1x80x125xi32, #tpu.memory_space<hbm>>
      %dma_start3A_18 = tpu.memref_squeeze %dma_start3A_17 : memref<1x80x125xi32, #tpu.memory_space<hbm>> -> memref<80x125xi32, #tpu.memory_space<hbm>>
      %dma_start3A_19 = arith.constant 0 : i32
      %dma_start3A_20 = arith.constant 0 : i32
      %dma_start3A_21 = tpu.memref_slice %arg4[%add3A, %dma_start3A_19, %dma_start3A_20] : memref<32x80x125xi32, #tpu.memory_space<hbm>> -> memref<1x80x125xi32, #tpu.memory_space<hbm>>
      %dma_start3A_22 = tpu.memref_squeeze %dma_start3A_21 : memref<1x80x125xi32, #tpu.memory_space<hbm>> -> memref<80x125xi32, #tpu.memory_space<hbm>>
      tpu.enqueue_dma source(%dma_start3A_22 : memref<80x125xi32, #tpu.memory_space<hbm>>) target(%arg8 : memref<80x125xi32, #tpu.memory_space<vmem>>) target_semaphore(%run_scoped3A : memref<!tpu.dma_semaphore, #tpu.memory_space<semaphore_mem>>)
      %dma_wait3A = arith.constant 0 : i32
      %dma_wait3A_23 = arith.constant 0 : i32
      %dma_wait3A_24 = tpu.memref_slice %arg4[%add3A, %dma_wait3A, %dma_wait3A_23] : memref<32x80x125xi32, #tpu.memory_space<hbm>> -> memref<1x80x125xi32, #tpu.memory_space<hbm>>
      %dma_wait3A_25 = tpu.memref_squeeze %dma_wait3A_24 : memref<1x80x125xi32, #tpu.memory_space<hbm>> -> memref<80x125xi32, #tpu.memory_space<hbm>>
      %dma_wait3A_26 = arith.constant 0 : i32
      %dma_wait3A_27 = arith.constant 0 : i32
      %dma_wait3A_28 = tpu.memref_slice %arg4[%add3A, %dma_wait3A_26, %dma_wait3A_27] : memref<32x80x125xi32, #tpu.memory_space<hbm>> -> memref<1x80x125xi32, #tpu.memory_space<hbm>>
      %dma_wait3A_29 = tpu.memref_squeeze %dma_wait3A_28 : memref<1x80x125xi32, #tpu.memory_space<hbm>> -> memref<80x125xi32, #tpu.memory_space<hbm>>
      tpu.wait_dma2 semaphore(%run_scoped3A : memref<!tpu.dma_semaphore, #tpu.memory_space<semaphore_mem>>) src(%dma_wait3A_29 : memref<80x125xi32, #tpu.memory_space<hbm>>) dst(%arg8 : memref<80x125xi32, #tpu.memory_space<vmem>>)
      tpu.yield
    }) : () -> ()
    %barrier3A = arith.constant 0 : index
    tpu.barrier barrier_id(%barrier3A)
    %scan3A = arith.constant 0 : i32
    %scan3A_5 = arith.constant 0 : i32
    %scan3A_6 = arith.constant 80 : i32
    %scan3A_7 = arith.addi %scan3A_5, %scan3A_6 : i32
    %scan3A_8 = arith.constant 1 : i32
    %scan3A_9 = scf.for %scan3A_16 = %scan3A_5 to %scan3A_7 step %scan3A_8 iter_args(%scan3A_17 = %scan3A) -> (i32)  : i32 {
      %dma_start3A = arith.constant 0 : i32
      %dma_start3A_18 = tpu.memref_slice %arg7[%scan3A_16, %dma_start3A] : memref<80x125xi32, #tpu.memory_space<vmem>> -> memref<1x125xi32, #tpu.memory_space<vmem>>
      %dma_start3A_19 = tpu.memref_squeeze %dma_start3A_18 : memref<1x125xi32, #tpu.memory_space<vmem>> -> memref<125xi32, #tpu.memory_space<vmem>>
      %dma_start3A_20 = arith.constant 0 : i32
      %dma_start3A_21 = arith.constant 0 : i32
      %dma_start3A_22 = tpu.memref_slice %arg2[%dma_start3A_20, %dma_start3A_21] : memref<10000x128xf32, #tpu.memory_space<hbm>> -> memref<10000x128xf32, #tpu.memory_space<hbm>>
      tpu.enqueue_indirect_dma source(%dma_start3A_22 : memref<10000x128xf32, #tpu.memory_space<hbm>>) target(%arg9 : memref<125x128xf32, #tpu.memory_space<vmem>>) offsets(%dma_start3A_19 : memref<125xi32, #tpu.memory_space<vmem>>) semaphore(%arg11 : memref<!tpu.dma_semaphore, #tpu.memory_space<semaphore_mem>>)
      %dma_wait3A = arith.constant 0 : i32
      %dma_wait3A_23 = tpu.memref_slice %arg7[%scan3A_16, %dma_wait3A] : memref<80x125xi32, #tpu.memory_space<vmem>> -> memref<1x125xi32, #tpu.memory_space<vmem>>
      %dma_wait3A_24 = tpu.memref_squeeze %dma_wait3A_23 : memref<1x125xi32, #tpu.memory_space<vmem>> -> memref<125xi32, #tpu.memory_space<vmem>>
      %dma_wait3A_25 = arith.constant 0 : i32
      %dma_wait3A_26 = arith.constant 0 : i32
      %dma_wait3A_27 = tpu.memref_slice %arg2[%dma_wait3A_25, %dma_wait3A_26] : memref<10000x128xf32, #tpu.memory_space<hbm>> -> memref<10000x128xf32, #tpu.memory_space<hbm>>
      tpu.wait_indirect_dma semaphore(%arg11 : memref<!tpu.dma_semaphore, #tpu.memory_space<semaphore_mem>>) src(%dma_wait3A_27 : memref<10000x128xf32, #tpu.memory_space<hbm>>) dst(%arg9 : memref<125x128xf32, #tpu.memory_space<vmem>>)
      "tpu.region"() ({
        %run_scoped3A = tpu.sem_alloc : memref<!tpu.dma_semaphore, #tpu.memory_space<semaphore_mem>>
        %dma_start3A_29 = arith.constant 0 : i32
        %dma_start3A_30 = tpu.memref_slice %arg8[%scan3A_16, %dma_start3A_29] : memref<80x125xi32, #tpu.memory_space<vmem>> -> memref<1x125xi32, #tpu.memory_space<vmem>>
        %dma_start3A_31 = tpu.memref_squeeze %dma_start3A_30 : memref<1x125xi32, #tpu.memory_space<vmem>> -> memref<125xi32, #tpu.memory_space<vmem>>
        %dma_start3A_32 = arith.constant 0 : i32
        %dma_start3A_33 = arith.constant 0 : i32
        %dma_start3A_34 = tpu.memref_slice %arg10[%dma_start3A_32, %dma_start3A_33] : memref<10240x128xf32, #tpu.memory_space<vmem_shared>> -> memref<10240x128xf32, #tpu.memory_space<vmem_shared>>
        tpu.enqueue_indirect_dma source(%arg9 : memref<125x128xf32, #tpu.memory_space<vmem>>) target(%dma_start3A_34 : memref<10240x128xf32, #tpu.memory_space<vmem_shared>>) offsets(%dma_start3A_31 : memref<125xi32, #tpu.memory_space<vmem>>) semaphore(%run_scoped3A : memref<!tpu.dma_semaphore, #tpu.memory_space<semaphore_mem>>) {add = true}
        %dma_wait3A_35 = arith.constant 0 : i32
        %dma_wait3A_36 = tpu.memref_slice %arg8[%scan3A_16, %dma_wait3A_35] : memref<80x125xi32, #tpu.memory_space<vmem>> -> memref<1x125xi32, #tpu.memory_space<vmem>>
        %dma_wait3A_37 = tpu.memref_squeeze %dma_wait3A_36 : memref<1x125xi32, #tpu.memory_space<vmem>> -> memref<125xi32, #tpu.memory_space<vmem>>
        %dma_wait3A_38 = arith.constant 0 : i32
        %dma_wait3A_39 = arith.constant 0 : i32
        %dma_wait3A_40 = tpu.memref_slice %arg10[%dma_wait3A_38, %dma_wait3A_39] : memref<10240x128xf32, #tpu.memory_space<vmem_shared>> -> memref<10240x128xf32, #tpu.memory_space<vmem_shared>>
        tpu.wait_indirect_dma semaphore(%run_scoped3A : memref<!tpu.dma_semaphore, #tpu.memory_space<semaphore_mem>>) src(%arg9 : memref<125x128xf32, #tpu.memory_space<vmem>>) dst(%dma_wait3A_40 : memref<10240x128xf32, #tpu.memory_space<vmem_shared>>)
        tpu.yield
      }) : () -> ()
      %scan3A_28 = arith.constant 0 : i32
      scf.yield %scan3A_28 : i32
    }
    %scan3A_10 = arith.constant 80 : i32
    %barrier3A_11 = arith.constant 0 : index
    tpu.barrier barrier_id(%barrier3A_11)
    %mul3A_12 = arith.constant 640 : i32
    %mul3A_13 = arith.muli %arg1, %mul3A_12 : i32
    %mul3A_14 = arith.constant 640 : i32
    %mul3A_15 = arith.muli %arg1, %mul3A_14 : i32
    "tpu.region"() ({
      %run_scoped3A = tpu.sem_alloc : memref<!tpu.dma_semaphore, #tpu.memory_space<semaphore_mem>>
      %dma_start3A = arith.constant 0 : i32
      %dma_start3A_16 = tpu.memref_slice %arg6[%arg0, %mul3A_15, %dma_start3A] : memref<2x10240x128xf32, #tpu.memory_space<hbm>> -> memref<1x640x128xf32, #tpu.memory_space<hbm>>
      %dma_start3A_17 = tpu.memref_squeeze %dma_start3A_16 : memref<1x640x128xf32, #tpu.memory_space<hbm>> -> memref<640x128xf32, #tpu.memory_space<hbm>>
      %dma_start3A_18 = arith.constant 0 : i32
      %dma_start3A_19 = tpu.memref_slice %arg10[%mul3A_13, %dma_start3A_18] : memref<10240x128xf32, #tpu.memory_space<vmem_shared>> -> memref<640x128xf32, #tpu.memory_space<vmem_shared>>
      tpu.enqueue_dma source(%dma_start3A_19 : memref<640x128xf32, #tpu.memory_space<vmem_shared>>) target(%dma_start3A_17 : memref<640x128xf32, #tpu.memory_space<hbm>>) target_semaphore(%run_scoped3A : memref<!tpu.dma_semaphore, #tpu.memory_space<semaphore_mem>>)
      %dma_wait3A = arith.constant 0 : i32
      %dma_wait3A_20 = tpu.memref_slice %arg6[%arg0, %mul3A_15, %dma_wait3A] : memref<2x10240x128xf32, #tpu.memory_space<hbm>> -> memref<1x640x128xf32, #tpu.memory_space<hbm>>
      %dma_wait3A_21 = tpu.memref_squeeze %dma_wait3A_20 : memref<1x640x128xf32, #tpu.memory_space<hbm>> -> memref<640x128xf32, #tpu.memory_space<hbm>>
      %dma_wait3A_22 = arith.constant 0 : i32
      %dma_wait3A_23 = tpu.memref_slice %arg10[%mul3A_13, %dma_wait3A_22] : memref<10240x128xf32, #tpu.memory_space<vmem_shared>> -> memref<640x128xf32, #tpu.memory_space<vmem_shared>>
      tpu.wait_dma2 semaphore(%run_scoped3A : memref<!tpu.dma_semaphore, #tpu.memory_space<semaphore_mem>>) src(%dma_wait3A_23 : memref<640x128xf32, #tpu.memory_space<vmem_shared>>) dst(%dma_wait3A_21 : memref<640x128xf32, #tpu.memory_space<hbm>>)
      tpu.yield
    }) : () -> ()
    return
  }
}

module attributes {stable_mosaic.version = 14 : i64} {
  func.func @_mix_body(%arg0: i32, %arg1: memref<2x1000x16xf32, #tpu.memory_space<vmem>>, %arg2: memref<2x1000x128xf32, #tpu.memory_space<vmem>>, %arg3: memref<1000x128xf32, #tpu.memory_space<vmem>>, %arg4: memref<1x128xf32, #tpu.memory_space<vmem>>, %arg5: memref<128x128xf32, #tpu.memory_space<vmem>>, %arg6: memref<1000x128xf32, #tpu.memory_space<vmem>>) attributes {dimension_semantics = [#tpu.dimension_semantics<arbitrary>], iteration_bounds = array<i64: 10>, scalar_prefetch = 0 : i64, scratch_operands = 0 : i64, tpu.core_type = #tpu.core_type<tc>, window_params = [{transform_indices = @transform_0, window_bounds = array<i64: 2, 1000, 16>}, {transform_indices = @transform_1, window_bounds = array<i64: 2, 1000, 128>}, {transform_indices = @transform_2, window_bounds = array<i64: 1000, 128>}, {pipeline_mode = #tpu.pipeline_mode<synchronous>, transform_indices = @transform_3, window_bounds = array<i64: 1, 128>}, {pipeline_mode = #tpu.pipeline_mode<synchronous>, transform_indices = @transform_4, window_bounds = array<i64: 128, 128>}, {transform_indices = @transform_5, window_bounds = array<i64: 1000, 128>}]} {
    %get3A = arith.constant 0 : index
    %get3A_0 = arith.constant 0 : index
    %get3A_1 = arith.constant 0 : index
    %get3A_2 = vector.load %arg1[%get3A, %get3A_0, %get3A_1] : memref<2x1000x16xf32, #tpu.memory_space<vmem>>, vector<1x1000x1xf32>
    %get3A_3 = vector.shape_cast %get3A_2 : vector<1x1000x1xf32> to vector<1000x1xf32>
    %get3A_4 = arith.constant 1 : index
    %get3A_5 = arith.constant 0 : index
    %get3A_6 = arith.constant 0 : index
    %get3A_7 = vector.load %arg1[%get3A_4, %get3A_5, %get3A_6] : memref<2x1000x16xf32, #tpu.memory_space<vmem>>, vector<1x1000x1xf32>
    %get3A_8 = vector.shape_cast %get3A_7 : vector<1x1000x1xf32> to vector<1000x1xf32>
    %add3A = arith.addf %get3A_3, %get3A_8 : vector<1000x1xf32>
    %add3A_9 = arith.constant 1.000000e+00 : f32
    %add3A_10 = vector.broadcast %add3A_9 : f32 to vector<1000x1xf32>
    %add3A_11 = arith.addf %add3A, %add3A_10 : vector<1000x1xf32>
    %rsqrt3A = math.rsqrt %add3A_11 : vector<1000x1xf32>
    %get3A_12 = arith.constant 0 : index
    %get3A_13 = arith.constant 0 : index
    %get3A_14 = arith.constant 0 : index
    %get3A_15 = vector.load %arg2[%get3A_12, %get3A_13, %get3A_14] : memref<2x1000x128xf32, #tpu.memory_space<vmem>>, vector<1x1000x128xf32>
    %get3A_16 = vector.shape_cast %get3A_15 : vector<1x1000x128xf32> to vector<1000x128xf32>
    %get3A_17 = arith.constant 1 : index
    %get3A_18 = arith.constant 0 : index
    %get3A_19 = arith.constant 0 : index
    %get3A_20 = vector.load %arg2[%get3A_17, %get3A_18, %get3A_19] : memref<2x1000x128xf32, #tpu.memory_space<vmem>>, vector<1x1000x128xf32>
    %get3A_21 = vector.shape_cast %get3A_20 : vector<1x1000x128xf32> to vector<1000x128xf32>
    %add3A_22 = arith.addf %get3A_16, %get3A_21 : vector<1000x128xf32>
    %get3A_23 = arith.constant 0 : index
    %get3A_24 = arith.constant 0 : index
    %get3A_25 = vector.load %arg3[%get3A_23, %get3A_24] : memref<1000x128xf32, #tpu.memory_space<vmem>>, vector<1000x128xf32>
    %add3A_26 = arith.addf %add3A_22, %get3A_25 : vector<1000x128xf32>
    %mul3A = vector.broadcast %rsqrt3A : vector<1000x1xf32> to vector<1000x128xf32>
    %mul3A_27 = arith.mulf %mul3A, %add3A_26 : vector<1000x128xf32>
    %get3A_28 = arith.constant 0 : index
    %get3A_29 = arith.constant 0 : index
    %get3A_30 = vector.load %arg4[%get3A_28, %get3A_29] : memref<1x128xf32, #tpu.memory_space<vmem>>, vector<1x128xf32>
    %add3A_31 = vector.broadcast %get3A_30 : vector<1x128xf32> to vector<1000x128xf32>
    %add3A_32 = arith.addf %mul3A_27, %add3A_31 : vector<1000x128xf32>
    %max3A = arith.constant 0.000000e+00 : f32
    %max3A_33 = vector.broadcast %max3A : f32 to vector<1000x128xf32>
    %max3A_34 = arith.maximumf %add3A_32, %max3A_33 : vector<1000x128xf32>
    %get3A_35 = arith.constant 0 : index
    %get3A_36 = arith.constant 0 : index
    %get3A_37 = vector.load %arg5[%get3A_35, %get3A_36] : memref<128x128xf32, #tpu.memory_space<vmem>>, vector<128x128xf32>
    %dot_general3A = arith.constant dense<0.000000e+00> : vector<1000x128xf32>
    %dot_general3A_38 = tpu.matmul %max3A_34, %get3A_37, %dot_general3A {dimension_numbers = #tpu.dot_dimension_numbers<[1], [0], [0], [1], [0, 0, 1, 1], [], []>, transpose_lhs_hint = false} : vector<1000x128xf32>, vector<128x128xf32>, vector<1000x128xf32> -> vector<1000x128xf32>
    %mul3A_39 = vector.broadcast %rsqrt3A : vector<1000x1xf32> to vector<1000x128xf32>
    %mul3A_40 = arith.mulf %mul3A_39, %dot_general3A_38 : vector<1000x128xf32>
    %swap3A = arith.constant 0 : index
    %swap3A_41 = arith.constant 0 : index
    %swap3A_42 = vector.load %arg6[%swap3A, %swap3A_41] : memref<1000x128xf32, #tpu.memory_space<vmem>>, vector<1000x128xf32>
    tpu.vector_store %arg6[%swap3A, %swap3A_41], %mul3A_40 {strides = array<i32>} : memref<1000x128xf32, #tpu.memory_space<vmem>>, vector<1000x128xf32>,
    return
  }
  func.func @transform_0(%arg0: i32) -> (i32, i32, i32) {
    %c0_i32 = arith.constant 0 : i32
    %c0_i32_0 = arith.constant 0 : i32
    %c0_i32_1 = arith.constant 0 : i32
    return %c0_i32, %arg0, %c0_i32_0 : i32, i32, i32
  }
  func.func @transform_1(%arg0: i32) -> (i32, i32, i32) {
    %c0_i32 = arith.constant 0 : i32
    %c0_i32_0 = arith.constant 0 : i32
    %c0_i32_1 = arith.constant 0 : i32
    return %c0_i32, %arg0, %c0_i32_0 : i32, i32, i32
  }
  func.func @transform_2(%arg0: i32) -> (i32, i32) {
    %c0_i32 = arith.constant 0 : i32
    %c0_i32_0 = arith.constant 0 : i32
    return %arg0, %c0_i32 : i32, i32
  }
  func.func @transform_3(%arg0: i32) -> (i32, i32) {
    %c0_i32 = arith.constant 0 : i32
    %c0_i32_0 = arith.constant 0 : i32
    %c0_i32_1 = arith.constant 0 : i32
    return %c0_i32, %c0_i32_0 : i32, i32
  }
  func.func @transform_4(%arg0: i32) -> (i32, i32) {
    %c0_i32 = arith.constant 0 : i32
    %c0_i32_0 = arith.constant 0 : i32
    %c0_i32_1 = arith.constant 0 : i32
    return %c0_i32, %c0_i32_0 : i32, i32
  }
  func.func @transform_5(%arg0: i32) -> (i32, i32) {
    %c0_i32 = arith.constant 0 : i32
    %c0_i32_0 = arith.constant 0 : i32
    return %arg0, %c0_i32 : i32, i32
  }
}

module attributes {stable_mosaic.version = 14 : i64} {
  func.func @_mm1_body(%arg0: i32, %arg1: memref<2x1000x16xf32, #tpu.memory_space<vmem>>, %arg2: memref<1000x128xf32, #tpu.memory_space<vmem>>, %arg3: memref<128x128xf32, #tpu.memory_space<vmem>>, %arg4: memref<1000x128xf32, #tpu.memory_space<vmem>>) attributes {dimension_semantics = [#tpu.dimension_semantics<arbitrary>], iteration_bounds = array<i64: 10>, scalar_prefetch = 0 : i64, scratch_operands = 0 : i64, tpu.core_type = #tpu.core_type<tc>, window_params = [{transform_indices = @transform_0, window_bounds = array<i64: 2, 1000, 16>}, {transform_indices = @transform_1, window_bounds = array<i64: 1000, 128>}, {pipeline_mode = #tpu.pipeline_mode<synchronous>, transform_indices = @transform_2, window_bounds = array<i64: 128, 128>}, {transform_indices = @transform_3, window_bounds = array<i64: 1000, 128>}]} {
    %get3A = arith.constant 0 : index
    %get3A_0 = arith.constant 0 : index
    %get3A_1 = arith.constant 0 : index
    %get3A_2 = vector.load %arg1[%get3A, %get3A_0, %get3A_1] : memref<2x1000x16xf32, #tpu.memory_space<vmem>>, vector<1x1000x1xf32>
    %get3A_3 = vector.shape_cast %get3A_2 : vector<1x1000x1xf32> to vector<1000x1xf32>
    %get3A_4 = arith.constant 1 : index
    %get3A_5 = arith.constant 0 : index
    %get3A_6 = arith.constant 0 : index
    %get3A_7 = vector.load %arg1[%get3A_4, %get3A_5, %get3A_6] : memref<2x1000x16xf32, #tpu.memory_space<vmem>>, vector<1x1000x1xf32>
    %get3A_8 = vector.shape_cast %get3A_7 : vector<1x1000x1xf32> to vector<1000x1xf32>
    %add3A = arith.addf %get3A_3, %get3A_8 : vector<1000x1xf32>
    %add3A_9 = arith.constant 1.000000e+00 : f32
    %add3A_10 = vector.broadcast %add3A_9 : f32 to vector<1000x1xf32>
    %add3A_11 = arith.addf %add3A, %add3A_10 : vector<1000x1xf32>
    %rsqrt3A = math.rsqrt %add3A_11 : vector<1000x1xf32>
    %get3A_12 = arith.constant 0 : index
    %get3A_13 = arith.constant 0 : index
    %get3A_14 = vector.load %arg2[%get3A_12, %get3A_13] : memref<1000x128xf32, #tpu.memory_space<vmem>>, vector<1000x128xf32>
    %get3A_15 = arith.constant 0 : index
    %get3A_16 = arith.constant 0 : index
    %get3A_17 = vector.load %arg3[%get3A_15, %get3A_16] : memref<128x128xf32, #tpu.memory_space<vmem>>, vector<128x128xf32>
    %dot_general3A = arith.constant dense<0.000000e+00> : vector<1000x128xf32>
    %dot_general3A_18 = tpu.matmul %get3A_14, %get3A_17, %dot_general3A {dimension_numbers = #tpu.dot_dimension_numbers<[1], [0], [0], [1], [0, 0, 1, 1], [], []>, transpose_lhs_hint = false} : vector<1000x128xf32>, vector<128x128xf32>, vector<1000x128xf32> -> vector<1000x128xf32>
    %mul3A = vector.broadcast %rsqrt3A : vector<1000x1xf32> to vector<1000x128xf32>
    %mul3A_19 = arith.mulf %mul3A, %dot_general3A_18 : vector<1000x128xf32>
    %swap3A = arith.constant 0 : index
    %swap3A_20 = arith.constant 0 : index
    %swap3A_21 = vector.load %arg4[%swap3A, %swap3A_20] : memref<1000x128xf32, #tpu.memory_space<vmem>>, vector<1000x128xf32>
    tpu.vector_store %arg4[%swap3A, %swap3A_20], %mul3A_19 {strides = array<i32>} : memref<1000x128xf32, #tpu.memory_space<vmem>>, vector<1000x128xf32>,
    return
  }
  func.func @transform_0(%arg0: i32) -> (i32, i32, i32) {
    %c0_i32 = arith.constant 0 : i32
    %c0_i32_0 = arith.constant 0 : i32
    %c0_i32_1 = arith.constant 0 : i32
    return %c0_i32, %arg0, %c0_i32_0 : i32, i32, i32
  }
  func.func @transform_1(%arg0: i32) -> (i32, i32) {
    %c0_i32 = arith.constant 0 : i32
    %c0_i32_0 = arith.constant 0 : i32
    return %arg0, %c0_i32 : i32, i32
  }
  func.func @transform_2(%arg0: i32) -> (i32, i32) {
    %c0_i32 = arith.constant 0 : i32
    %c0_i32_0 = arith.constant 0 : i32
    %c0_i32_1 = arith.constant 0 : i32
    return %c0_i32, %c0_i32_0 : i32, i32
  }
  func.func @transform_3(%arg0: i32) -> (i32, i32) {
    %c0_i32 = arith.constant 0 : i32
    %c0_i32_0 = arith.constant 0 : i32
    return %arg0, %c0_i32 : i32, i32
  }
}

module attributes {stable_mosaic.version = 14 : i64} {
  func.func @_fin_body(%arg0: i32, %arg1: memref<2x1000x16xf32, #tpu.memory_space<vmem>>, %arg2: memref<2x1000x128xf32, #tpu.memory_space<vmem>>, %arg3: memref<1000x128xf32, #tpu.memory_space<vmem>>, %arg4: memref<1x128xf32, #tpu.memory_space<vmem>>, %arg5: memref<128x16xf32, #tpu.memory_space<vmem>>, %arg6: memref<1x16xf32, #tpu.memory_space<vmem>>, %arg7: memref<1x1x1000xi32, #tpu.memory_space<vmem>>, %arg8: memref<64x16xf32, #tpu.memory_space<vmem>>, %arg9: memref<64x16xf32, #tpu.memory_space<vmem>>, %arg10: memref<64x1xf32, #tpu.memory_space<vmem>>) attributes {dimension_semantics = [#tpu.dimension_semantics<arbitrary>], iteration_bounds = array<i64: 10>, scalar_prefetch = 0 : i64, scratch_operands = 2 : i64, tpu.core_type = #tpu.core_type<tc>, window_params = [{transform_indices = @transform_0, window_bounds = array<i64: 2, 1000, 16>}, {transform_indices = @transform_1, window_bounds = array<i64: 2, 1000, 128>}, {transform_indices = @transform_2, window_bounds = array<i64: 1000, 128>}, {pipeline_mode = #tpu.pipeline_mode<synchronous>, transform_indices = @transform_3, window_bounds = array<i64: 1, 128>}, {pipeline_mode = #tpu.pipeline_mode<synchronous>, transform_indices = @transform_4, window_bounds = array<i64: 128, 16>}, {pipeline_mode = #tpu.pipeline_mode<synchronous>, transform_indices = @transform_5, window_bounds = array<i64: 1, 16>}, {transform_indices = @transform_6, window_bounds = array<i64: 1, 1, 1000>}, {pipeline_mode = #tpu.pipeline_mode<synchronous>, transform_indices = @transform_7, window_bounds = array<i64: 64, 16>}]} {
    %get3A = arith.constant 0 : index
    %get3A_0 = arith.constant 0 : index
    %get3A_1 = arith.constant 0 : index
    %get3A_2 = vector.load %arg1[%get3A, %get3A_0, %get3A_1] : memref<2x1000x16xf32, #tpu.memory_space<vmem>>, vector<1x1000x1xf32>
    %get3A_3 = vector.shape_cast %get3A_2 : vector<1x1000x1xf32> to vector<1000x1xf32>
    %get3A_4 = arith.constant 1 : index
    %get3A_5 = arith.constant 0 : index
    %get3A_6 = arith.constant 0 : index
    %get3A_7 = vector.load %arg1[%get3A_4, %get3A_5, %get3A_6] : memref<2x1000x16xf32, #tpu.memory_space<vmem>>, vector<1x1000x1xf32>
    %get3A_8 = vector.shape_cast %get3A_7 : vector<1x1000x1xf32> to vector<1000x1xf32>
    %add3A = arith.addf %get3A_3, %get3A_8 : vector<1000x1xf32>
    %add3A_9 = arith.constant 1.000000e+00 : f32
    %add3A_10 = vector.broadcast %add3A_9 : f32 to vector<1000x1xf32>
    %add3A_11 = arith.addf %add3A, %add3A_10 : vector<1000x1xf32>
    %rsqrt3A = math.rsqrt %add3A_11 : vector<1000x1xf32>
    %get3A_12 = arith.constant 0 : index
    %get3A_13 = arith.constant 0 : index
    %get3A_14 = arith.constant 0 : index
    %get3A_15 = vector.load %arg2[%get3A_12, %get3A_13, %get3A_14] : memref<2x1000x128xf32, #tpu.memory_space<vmem>>, vector<1x1000x128xf32>
    %get3A_16 = vector.shape_cast %get3A_15 : vector<1x1000x128xf32> to vector<1000x128xf32>
    %get3A_17 = arith.constant 1 : index
    %get3A_18 = arith.constant 0 : index
    %get3A_19 = arith.constant 0 : index
    %get3A_20 = vector.load %arg2[%get3A_17, %get3A_18, %get3A_19] : memref<2x1000x128xf32, #tpu.memory_space<vmem>>, vector<1x1000x128xf32>
    %get3A_21 = vector.shape_cast %get3A_20 : vector<1x1000x128xf32> to vector<1000x128xf32>
    %add3A_22 = arith.addf %get3A_16, %get3A_21 : vector<1000x128xf32>
    %get3A_23 = arith.constant 0 : index
    %get3A_24 = arith.constant 0 : index
    %get3A_25 = vector.load %arg3[%get3A_23, %get3A_24] : memref<1000x128xf32, #tpu.memory_space<vmem>>, vector<1000x128xf32>
    %add3A_26 = arith.addf %add3A_22, %get3A_25 : vector<1000x128xf32>
    %mul3A = vector.broadcast %rsqrt3A : vector<1000x1xf32> to vector<1000x128xf32>
    %mul3A_27 = arith.mulf %mul3A, %add3A_26 : vector<1000x128xf32>
    %get3A_28 = arith.constant 0 : index
    %get3A_29 = arith.constant 0 : index
    %get3A_30 = vector.load %arg4[%get3A_28, %get3A_29] : memref<1x128xf32, #tpu.memory_space<vmem>>, vector<1x128xf32>
    %add3A_31 = vector.broadcast %get3A_30 : vector<1x128xf32> to vector<1000x128xf32>
    %add3A_32 = arith.addf %mul3A_27, %add3A_31 : vector<1000x128xf32>
    %max3A = arith.constant 0.000000e+00 : f32
    %max3A_33 = vector.broadcast %max3A : f32 to vector<1000x128xf32>
    %max3A_34 = arith.maximumf %add3A_32, %max3A_33 : vector<1000x128xf32>
    %get3A_35 = arith.constant 0 : index
    %get3A_36 = arith.constant 0 : index
    %get3A_37 = vector.load %arg5[%get3A_35, %get3A_36] : memref<128x16xf32, #tpu.memory_space<vmem>>, vector<128x16xf32>
    %dot_general3A = arith.constant dense<0.000000e+00> : vector<1000x16xf32>
    %dot_general3A_38 = tpu.matmul %max3A_34, %get3A_37, %dot_general3A {dimension_numbers = #tpu.dot_dimension_numbers<[1], [0], [0], [1], [0, 0, 1, 1], [], []>, transpose_lhs_hint = false} : vector<1000x128xf32>, vector<128x16xf32>, vector<1000x16xf32> -> vector<1000x16xf32>
    %get3A_39 = arith.constant 0 : index
    %get3A_40 = arith.constant 0 : index
    %get3A_41 = vector.load %arg6[%get3A_39, %get3A_40] : memref<1x16xf32, #tpu.memory_space<vmem>>, vector<1x16xf32>
    %add3A_42 = vector.broadcast %get3A_41 : vector<1x16xf32> to vector<1000x16xf32>
    %add3A_43 = arith.addf %dot_general3A_38, %add3A_42 : vector<1000x16xf32>
    %tanh3A = math.tanh %add3A_43 : vector<1000x16xf32>
    %get3A_44 = arith.constant 0 : index
    %get3A_45 = arith.constant 0 : index
    %get3A_46 = arith.constant 0 : index
    %get3A_47 = vector.load %arg7[%get3A_44, %get3A_45, %get3A_46] : memref<1x1x1000xi32, #tpu.memory_space<vmem>>, vector<1x1x1000xi32>
    %get3A_48 = vector.shape_cast %get3A_47 : vector<1x1x1000xi32> to vector<1000xi32>
    %iota3A = tpu.iota {dimensions = array<i32: 0>} : vector<64x1000xi32>
    %broadcast_in_dim3A = vector.shape_cast %get3A_48 : vector<1000xi32> to vector<1x1000xi32>
    %eq3A = vector.broadcast %broadcast_in_dim3A : vector<1x1000xi32> to vector<64x1000xi32>
    %eq3A_49 = arith.cmpi eq, %iota3A, %eq3A : vector<64x1000xi32>
    %convert_element_type3A = arith.extui %eq3A_49 : vector<64x1000xi1> to vector<64x1000xi32>
    %convert_element_type3A_50 = arith.sitofp %convert_element_type3A : vector<64x1000xi32> to vector<64x1000xf32>
    %dot_general3A_51 = arith.constant dense<0.000000e+00> : vector<64x16xf32>
    %dot_general3A_52 = tpu.matmul %convert_element_type3A_50, %tanh3A, %dot_general3A_51 {dimension_numbers = #tpu.dot_dimension_numbers<[1], [0], [0], [1], [0, 0, 1, 1], [], []>, transpose_lhs_hint = false} : vector<64x1000xf32>, vector<1000x16xf32>, vector<64x16xf32> -> vector<64x16xf32>
    %reduce_sum3A = arith.constant dense<0.000000e+00> : vector<64xf32>
    %reduce_sum3A_53 = vector.multi_reduction <add>, %convert_element_type3A_50, %reduce_sum3A [1] : vector<64x1000xf32> to vector<64xf32>
    %broadcast_in_dim3A_54 = vector.shape_cast %reduce_sum3A_53 : vector<64xf32> to vector<64x1xf32>
    %eq3A_55 = arith.constant 0 : i32
    %eq3A_56 = arith.cmpi eq, %arg0, %eq3A_55 : i32
    %convert_element_type3A_57 = arith.extui %eq3A_56 : i1 to i32
    %cond3A = arith.constant 0 : i32
    %cond3A_58 = arith.cmpi ne, %convert_element_type3A_57, %cond3A : i32
    scf.if %cond3A_58 {
      %broadcast_in_dim3A_77 = arith.constant 0.000000e+00 : f32
      %broadcast_in_dim3A_78 = vector.broadcast %broadcast_in_dim3A_77 : f32 to vector<64x16xf32>
      %swap3A_79 = arith.constant 0 : index
      %swap3A_80 = arith.constant 0 : index
      %swap3A_81 = vector.load %arg9[%swap3A_79, %swap3A_80] : memref<64x16xf32, #tpu.memory_space<vmem>>, vector<64x16xf32>
      tpu.vector_store %arg9[%swap3A_79, %swap3A_80], %broadcast_in_dim3A_78 {strides = array<i32>} : memref<64x16xf32, #tpu.memory_space<vmem>>, vector<64x16xf32>,
      %broadcast_in_dim3A_82 = arith.constant 0.000000e+00 : f32
      %broadcast_in_dim3A_83 = vector.broadcast %broadcast_in_dim3A_82 : f32 to vector<64x1xf32>
      %swap3A_84 = arith.constant 0 : index
      %swap3A_85 = arith.constant 0 : index
      %swap3A_86 = vector.load %arg10[%swap3A_84, %swap3A_85] : memref<64x1xf32, #tpu.memory_space<vmem>>, vector<64x1xf32>
      tpu.vector_store %arg10[%swap3A_84, %swap3A_85], %broadcast_in_dim3A_83 {strides = array<i32>} : memref<64x1xf32, #tpu.memory_space<vmem>>, vector<64x1xf32>,
    } else {
    }
    %get3A_59 = arith.constant 0 : index
    %get3A_60 = arith.constant 0 : index
    %get3A_61 = vector.load %arg9[%get3A_59, %get3A_60] : memref<64x16xf32, #tpu.memory_space<vmem>>, vector<64x16xf32>
    %add3A_62 = arith.addf %get3A_61, %dot_general3A_52 : vector<64x16xf32>
    %swap3A = arith.constant 0 : index
    %swap3A_63 = arith.constant 0 : index
    %swap3A_64 = vector.load %arg9[%swap3A, %swap3A_63] : memref<64x16xf32, #tpu.memory_space<vmem>>, vector<64x16xf32>
    tpu.vector_store %arg9[%swap3A, %swap3A_63], %add3A_62 {strides = array<i32>} : memref<64x16xf32, #tpu.memory_space<vmem>>, vector<64x16xf32>,
    %get3A_65 = arith.constant 0 : index
    %get3A_66 = arith.constant 0 : index
    %get3A_67 = vector.load %arg10[%get3A_65, %get3A_66] : memref<64x1xf32, #tpu.memory_space<vmem>>, vector<64x1xf32>
    %add3A_68 = arith.addf %get3A_67, %broadcast_in_dim3A_54 : vector<64x1xf32>
    %swap3A_69 = arith.constant 0 : index
    %swap3A_70 = arith.constant 0 : index
    %swap3A_71 = vector.load %arg10[%swap3A_69, %swap3A_70] : memref<64x1xf32, #tpu.memory_space<vmem>>, vector<64x1xf32>
    tpu.vector_store %arg10[%swap3A_69, %swap3A_70], %add3A_68 {strides = array<i32>} : memref<64x1xf32, #tpu.memory_space<vmem>>, vector<64x1xf32>,
    %eq3A_72 = arith.constant 9 : i32
    %eq3A_73 = arith.cmpi eq, %arg0, %eq3A_72 : i32
    %convert_element_type3A_74 = arith.extui %eq3A_73 : i1 to i32
    %cond3A_75 = arith.constant 0 : i32
    %cond3A_76 = arith.cmpi ne, %convert_element_type3A_74, %cond3A_75 : i32
    scf.if %cond3A_76 {
      %get3A_77 = arith.constant 0 : index
      %get3A_78 = arith.constant 0 : index
      %get3A_79 = vector.load %arg9[%get3A_77, %get3A_78] : memref<64x16xf32, #tpu.memory_space<vmem>>, vector<64x16xf32>
      %get3A_80 = arith.constant 0 : index
      %get3A_81 = arith.constant 0 : index
      %get3A_82 = vector.load %arg10[%get3A_80, %get3A_81] : memref<64x1xf32, #tpu.memory_space<vmem>>, vector<64x1xf32>
      %max3A_83 = arith.constant 1.000000e+00 : f32
      %max3A_84 = vector.broadcast %max3A_83 : f32 to vector<64x1xf32>
      %max3A_85 = arith.maximumf %get3A_82, %max3A_84 : vector<64x1xf32>
      %div3A = vector.broadcast %max3A_85 : vector<64x1xf32> to vector<64x16xf32>
      %div3A_86 = arith.divf %get3A_79, %div3A : vector<64x16xf32>
      %swap3A_87 = arith.constant 0 : index
      %swap3A_88 = arith.constant 0 : index
      %swap3A_89 = vector.load %arg8[%swap3A_87, %swap3A_88] : memref<64x16xf32, #tpu.memory_space<vmem>>, vector<64x16xf32>
      tpu.vector_store %arg8[%swap3A_87, %swap3A_88], %div3A_86 {strides = array<i32>} : memref<64x16xf32, #tpu.memory_space<vmem>>, vector<64x16xf32>,
    } else {
    }
    return
  }
  func.func @transform_0(%arg0: i32) -> (i32, i32, i32) {
    %c0_i32 = arith.constant 0 : i32
    %c0_i32_0 = arith.constant 0 : i32
    %c0_i32_1 = arith.constant 0 : i32
    return %c0_i32, %arg0, %c0_i32_0 : i32, i32, i32
  }
  func.func @transform_1(%arg0: i32) -> (i32, i32, i32) {
    %c0_i32 = arith.constant 0 : i32
    %c0_i32_0 = arith.constant 0 : i32
    %c0_i32_1 = arith.constant 0 : i32
    return %c0_i32, %arg0, %c0_i32_0 : i32, i32, i32
  }
  func.func @transform_2(%arg0: i32) -> (i32, i32) {
    %c0_i32 = arith.constant 0 : i32
    %c0_i32_0 = arith.constant 0 : i32
    return %arg0, %c0_i32 : i32, i32
  }
  func.func @transform_3(%arg0: i32) -> (i32, i32) {
    %c0_i32 = arith.constant 0 : i32
    %c0_i32_0 = arith.constant 0 : i32
    %c0_i32_1 = arith.constant 0 : i32
    return %c0_i32, %c0_i32_0 : i32, i32
  }
  func.func @transform_4(%arg0: i32) -> (i32, i32) {
    %c0_i32 = arith.constant 0 : i32
    %c0_i32_0 = arith.constant 0 : i32
    %c0_i32_1 = arith.constant 0 : i32
    return %c0_i32, %c0_i32_0 : i32, i32
  }
  func.func @transform_5(%arg0: i32) -> (i32, i32) {
    %c0_i32 = arith.constant 0 : i32
    %c0_i32_0 = arith.constant 0 : i32
    %c0_i32_1 = arith.constant 0 : i32
    return %c0_i32, %c0_i32_0 : i32, i32
  }
  func.func @transform_6(%arg0: i32) -> (i32, i32, i32) {
    %c0_i32 = arith.constant 0 : i32
    %c0_i32_0 = arith.constant 0 : i32
    %c0_i32_1 = arith.constant 0 : i32
    return %arg0, %c0_i32, %c0_i32_0 : i32, i32, i32
  }
  func.func @transform_7(%arg0: i32) -> (i32, i32) {
    %c0_i32 = arith.constant 0 : i32
    %c0_i32_0 = arith.constant 0 : i32
    %c0_i32_1 = arith.constant 0 : i32
    return %c0_i32, %c0_i32_0 : i32, i32
  }
}

</mosaic_0001>

<sc_bundles>
// kernel: kernel.10.cloned.1.call-start
scs
__scs_entry_jumppad:
0x0: {  	(pc) =	sbr.rel $0x88, $3  }
0x1: {  	(tag) =	ssettag $0x0;
	lr =	simm.s32 $0x1  }
0x2: {  	[smem:$0x3F96] =	sst lr;
	_ =	strace $0xD0000000  }
0x3: {  	_ = 	snop  }
0x4: {  	_ = 	snop  }
0x5: {  	_ = 	snop  }
0x6: {  	_ = 	snop  }
0x7: {  	_ = 	snop  }
__scs_overlays_trampoline_lowered:
0x8: {  	[smem:$0x3FA5] =	sst s0  }
0x9: {  	[smem:$0x3FA6] =	sst s1  }
0xa: {  	[smem:$0x3FA7] =	sst s2  }
0xb: {  	[smem:$0x3FA8] =	sst s3  }
0xc: {  	[smem:$0x3FA9] =	sst s4  }
0xd: {  	[smem:$0x3FAA] =	sst s5  }
0xe: {  	[smem:$0x3FAB] =	sst s6  }
0xf: {  	[smem:$0x3FAC] =	sst s7  }
0x10: {  	[smem:$0x3FAD] =	sst s8  }
0x11: {  	[smem:$0x3FAE] =	sst s9;
	s0 =	simm.s32 @!p0 $0x0  }
0x12: {  	s1 =	sld [smem:$0x3F94];
	s0 =	simm.s32 @p0 $0x1  }
0x13: {  	[smem:$0x3FAF] =	sst s0;
	s0 =	simm.s32 @!p1 $0x0  }
0x14: {  	s2 =	sld [smem:$0x3F93];
	s0 =	simm.s32 @p1 $0x1  }
0x15: {  	[smem:$0x3FB0] =	sst s0;
	s0 =	simm.s32 @!p2 $0x0  }
0x16: {  	s3 =	sld [smem:$0x3FDB];
	s0 =	simm.s32 @p2 $0x1  }
0x17: {  	s4 =	simm.s32 $0x1BF5;
	[smem:$0x3FB2] =	sst s0  }
0x18: {  	s0 =	sld [smem:$0x3F95];
	_ =	swait.ge [sflag:s4], $0x0  }
0x19: {  	s7 =	sld [smem:$0x3F96]  }
0x1a: {  	s8 =	sadd.s32 $0xFFFFE003, lr  }
0x1b: {  	s9 =	sadd.s32 $0xFFFFFEF7, lr;
	s5 =	simm.s32 $0xFFFFFFFF;
	p2 =	slt.u32 s8, $0xFFFFF086  }
0x1c: {  	p1 =	slt.u32 s9, $0xF7A;
	s5 =	simm.s32 @!p2 $0x0  }
0x1d: {  	s5 =	simm.s32 @p1 $0x1;
	p0 =	seq.s32 s7, s2  }
0x1e: {  	s7 =	smul.u32 @!p0 $0xF7A, s2;
	p2 =	seq.s32 @!p0 s5, $0x0  }
0x1f: {  	s9 =	smul.u32 $0xF7A, s1;
	s8 =	simm.s32 @!p0 $0x1BF5;
	p2 =	por !p2, p0  }
0x20: {  	[sflag:s8] =	ssyncset.s32 @!p0 $0xFFFFF086;
	s6 =	sadd.s32 @!p0 s3, s7;
	s7 =	simm.s32 @!p0 $0x108  }
0x21: {  	s3 =	sadd.s32 s3, s9;
	s6 =	sadd.s32 @!p0 $0x88, s6;
	s7 =	simm.s32 @p2 $0x1082  }
0x22: {  	[simem:s7], [sflag:s8] =	dma.local @!p0 [hbm:s6], $0xF7A  }
0x23: {  	s9 =	sor.u32 $0xD0000000, s2;
	s6 =	simm.s32 $0x108;
	_ =	swait.ge @!p0 [sflag:s8], $0x0  }
0x24: {  	s3 =	sadd.s32 $0x88, s3;
	s6 =	simm.s32 @!p1 $0x1082;
	[sflag:s4] =	ssyncset.s32 $0xFFFFF086  }
0x25: {  	[simem:s6], [sflag:s4] =	dma.local [hbm:s3], $0xF7A  }
0x26: {  	[smem:$0x3F96] =	sst s1;
	(tag) =	ssettag s2;
	_ =	strace s9  }
0x27: {  	s1 =	sld [smem:$0x3FA6]  }
0x28: {  	s2 =	sld [smem:$0x3FA7]  }
0x29: {  	s4 =	sld [smem:$0x3FA9]  }
0x2a: {  	p0 =	seq.s32 s5, $0x0;
	s5 =	sld [smem:$0x3FAA]  }
0x2b: {  	s6 =	sld [smem:$0x3FAB]  }
0x2c: {  	s7 =	sld [smem:$0x3FAC]  }
0x2d: {  	s3 =	simm.s32 $0x108;
	s8 =	sld [smem:$0x3FAD]  }
0x2e: {  	s3 =	simm.s32 @!p0 $0x1082;
	s9 =	sld [smem:$0x3FAE]  }
0x2f: {  	lr =	sadd.s32 s0, s3;
	s0 =	sld [smem:$0x3FA5]  }
0x30: {  	s3 =	sld [smem:$0x3FA8]  }
0x31: {  	[smem:$0x3FB1] =	sst s10  }
0x32: {  	s10 =	sld [smem:$0x3FAF];
	_ =	sdelay $0x3  }
0x33: {  	p0 =	seq.s32 s10, $0x1;
	s10 =	sld [smem:$0x3FB1];
	_ =	sdelay $0x3  }
0x34: {  	[smem:$0x3FB1] =	sst s10  }
0x35: {  	s10 =	sld [smem:$0x3FB0];
	_ =	sdelay $0x3  }
0x36: {  	p1 =	seq.s32 s10, $0x1;
	s10 =	sld [smem:$0x3FB1];
	_ =	sdelay $0x3  }
0x37: {  	[smem:$0x3FB1] =	sst s10  }
0x38: {  	s10 =	sld [smem:$0x3FB2]  }
0x39: {  	_ = 	snop;
	(pc) =	sbr.ind lr, $3  }
0x3a: {  	_ = 	snop  }
0x3b: {  	_ = 	snop  }
0x3c: {  	p2 =	seq.s32 s10, $0x1;
	s10 =	sld [smem:$0x3FB1]  }
0x3d: {  	_ =	shalt  }
0x3e: {  	_ =	shalt  }
0x3f: {  	_ =	shalt  }
0x40: {  	_ =	shalt  }
0x41: {  	_ =	shalt  }
0x42: {  	_ =	shalt  }
0x43: {  	_ =	shalt  }
0x44: {  	_ =	shalt  }
0x45: {  	_ =	shalt  }
0x46: {  	_ =	shalt  }
0x47: {  	_ =	shalt  }
0x48: {  	_ =	shalt  }
0x49: {  	_ =	shalt  }
0x4a: {  	_ =	shalt  }
0x4b: {  	_ =	shalt  }
0x4c: {  	_ =	shalt  }
0x4d: {  	_ =	shalt  }
0x4e: {  	_ =	shalt  }
0x4f: {  	_ =	shalt  }
0x50: {  	_ =	shalt  }
0x51: {  	_ =	shalt  }
0x52: {  	_ =	shalt  }
0x53: {  	_ =	shalt  }
0x54: {  	_ =	shalt  }
0x55: {  	_ =	shalt  }
0x56: {  	_ =	shalt  }
0x57: {  	_ =	shalt  }
0x58: {  	_ =	shalt  }
0x59: {  	_ =	shalt  }
0x5a: {  	_ =	shalt  }
0x5b: {  	_ =	shalt  }
0x5c: {  	_ =	shalt  }
0x5d: {  	_ =	shalt  }
0x5e: {  	_ =	shalt  }
0x5f: {  	_ =	shalt  }
0x60: {  	_ =	shalt  }
0x61: {  	_ =	shalt  }
0x62: {  	_ =	shalt  }
0x63: {  	_ =	shalt  }
0x64: {  	_ =	shalt  }
0x65: {  	_ =	shalt  }
0x66: {  	_ =	shalt  }
0x67: {  	_ =	shalt  }
0x68: {  	_ =	shalt  }
0x69: {  	_ =	shalt  }
0x6a: {  	_ =	shalt  }
0x6b: {  	_ =	shalt  }
0x6c: {  	_ =	shalt  }
0x6d: {  	_ =	shalt  }
0x6e: {  	_ =	shalt  }
0x6f: {  	_ =	shalt  }
0x70: {  	_ =	shalt  }
0x71: {  	_ =	shalt  }
0x72: {  	_ =	shalt  }
0x73: {  	_ =	shalt  }
0x74: {  	_ =	shalt  }
0x75: {  	_ =	shalt  }
0x76: {  	_ =	shalt  }
0x77: {  	_ =	shalt  }
0x78: {  	_ =	shalt  }
0x79: {  	_ =	shalt  }
0x7a: {  	_ =	shalt  }
0x7b: {  	_ =	shalt  }
0x7c: {  	_ =	shalt  }
0x7d: {  	_ =	shalt  }
0x7e: {  	_ =	shalt  }
0x7f: {  	_ =	shalt  }
0x80: {  	_ =	shalt  }
0x81: {  	_ =	shalt  }
0x82: {  	_ =	shalt  }
0x83: {  	_ =	shalt  }
0x84: {  	_ =	shalt  }
0x85: {  	_ =	shalt  }
0x86: {  	_ =	shalt  }
0x87: {  	_ =	shalt  }
.Lfunc_end0:
.L_simem_size_0:
called_computation_lowered:
.L_overlay_start_0:
0x88: {  	s2 =	sld [smem:$0x3FD9]  }
0x89: {  	s3 =	sld [smem:$0x3FFE];
	_ =	sdelay $0x1  }
0x8a: {  	s1 =	srdreg.scid  }
0x8b: {  	s0 =	sand.u32 $0x1, s1  }
0x8c: {  	s16 =	sshll.u32 s0, $0xA;
	s2 =	sadd.s32 s3, s2  }
0x8d: {  	s2 =	sadd.s32 s2, s16  }
0x8e: {  	[smem:$0x3FBD] =	sst s2  }
0x8f: {  	_ = 	snop  }
0x90: {  	(tm) =	ssettm $0x1  }
0x91: {  	s17 =	sld [smem:$0x3FFB];
	_ =	sdelay $0x3  }
0x92: {  	_ =	strace s17  }
0x93: {  	s2 =	sld [smem:$0x3FFC];
	_ =	sdelay $0x3  }
0x94: {  	_ =	strace s2  }
0x95: {  	s2 =	sld [smem:$0x3FFD];
	_ =	sdelay $0x3  }
0x96: {  	_ =	strace s2  }
0x97: {  	_ =	strace $0x8FFFFFFF  }
0x98: {  	s18 =	sld [smem:$0x3FDB];
	_ =	sdelay $0x1  }
0x99: {  	s19 =	simm.s32 $_scs_section_size  }
0x9a: {  	s4 =	simm.s32 $_size__tile_overlayer_lowered;
	s5 =	simm.s32 $_tile_overlayer_lowered  }
0x9b: {  	s22 =	simm.s32 $0x1BFF;
	s21 =	sshll.u32 s5, $0x1;
	s2 =	sadd.s32 s19, s18  }
0x9c: {  	s6 =	simm.s32 $0x0;
	s20 =	sshll.u32 s4, $0x1;
	s4 =	sadd.s32 s21, s2  }
0x9d: {  	[timem:s6], [sflag:s22] =	dma.local [hbm:s4], s20  }
0x9e: {  	_ =	swait.ge [sflag:s22], s20  }
0x9f: {  	s3 =	ssub.s32 $0x0, s20;
	[sflag:s22] =	ssyncset.done $0x0  }
0xa0: {  	[sflag:s22] =	ssyncadd.s32 s3;
	_ =	sdelay $0x1  }
0xa1: {  	s23 =	simm.s32 $0x1B8B  }
0xa2: {  	_ =	swait.ge [sflag:s23], $0x1  }
0xa3: {  	[sflag:s23] =	ssyncset.done $0x0  }
0xa4: {  	s25 =	simm.s32 $0x1B8E;
	s24 =	sld [smem:$0x3FFE];
	[sflag:s23] =	ssyncadd.s32 $0xFFFFFFFF  }
0xa5: {  	s26 =	simm.s32 $execute0_lowered;
	[smem:$0x3FD2] =	sst s25  }
0xa6: {  	s4 =	sshll.u32 s26, $0x1;
	_ =	strace $0x80000046;
	[dreg:$0x1] =	wrdreg $0xFFFFFFFF  }
0xa7: {  	s28 =	simm.s32 $_size_execute0_lowered;
	s2 =	sadd.s32 s2, s4;
	[dreg:$0x0] =	wrdreg $0x0  }
0xa8: {  	s4 =	sshll.u32 s28, $0x1;
	[dreg:$0x2] =	wrdreg s2  }
0xa9: {  	[dreg:$0x3] =	wrdreg s4  }
0xaa: {  	[dreg:$0x4] =	wrdreg $0xC0  }
0xab: {  	_ =	task [dreg:s6], $0x5FFFF  }
0xac: {  	[dreg:$0x1] =	wrdreg $0xFFFFFFFF  }
0xad: {  	[dreg:$0x0] =	wrdreg $0x60  }
0xae: {  	[dreg:$0x2] =	wrdreg s24  }
0xaf: {  	[dreg:$0x3] =	wrdreg $0xA8000  }
0xb0: {  	[dreg:$0x4] =	wrdreg $0x9  }
0xb1: {  	_ =	task.clear_ibuf [dreg:s6], $0x5FFFF;
	_ =	strace $0x90000046  }
0xb2: {  	s29 =	simm.s32 $0x9;
	_ =	strace $0x80000048  }
0xb3: {  	_ =	swait.ge [sflag:s29], $0x1  }
0xb4: {  	[sflag:s29] =	ssyncadd.s32 $0xFFFFFFFF  }
0xb5: {  	_ =	strace $0x90000048  }
0xb6: {  	_ =	sfence  }
0xb7: {  	s30 =	sld [smem:$0x0];
	_ =	sdelay $0x2  }
0xb8: {  	s31 =	sshll.u32 s1, $0xD;
	s1 =	sshrl.u32 s1, $0x2  }
0xb9: {  	s3 =	sand.u32 $0x4000, s31;
	s1 =	sadd.s32 s1, s30  }
0xba: {  	s0 =	sor.u32 s3, s0;
	s1 =	sshll.u32 s1, $0x11  }
0xbb: {  	s0 =	sor.u32 s1, s0  }
0xbc: {  	s0 =	sadd.s32 $0x8F2B, s0  }
0xbd: {  	[sflag:s0] =	ssyncadd.remote.s32 $0x1  }
0xbe: {  	_ =	sfence.sel $0xFFFF  }
0xbf: {  	[dreg:$0x0] =	wrdreg $0xFFFFFFFF;
	(pc) =	sbr.abs _section_cstart, $3  }
0xc0: {  	[dreg:$0x1] =	wrdreg $0xFFFFFFFF  }
0xc1: {  	_ =	task.clear_ibuf [dreg:s6], $0x2FFFF;
	_ =	strace $0x9FFFFFFF  }
0xc2: {  	(tm) =	ssettm $0x7FFFFFFF  }
0xc3: {  	_ =	shalt  }
tec
execute0_lowered:
.L_overlay_start_1:
0x0: {  	(tag) =	ssettag $0x1  }
0x1: {  	s0 =	srdreg.scid;
	s5 =	rddreg [dreg:$0x0]  }
0x2: {  	s2 =	rddreg [dreg:$0x1];
	s3 =	simm.s32 $0x0;
	s4 =	sand.u32 $0x1, s0  }
0x3: {  	s13 =	simm.s32 $0x1;
	s0 =	stileid.u32;
	s7 =	smul.u32 $0x140000, s4  }
0x4: {  	s14 =	simm.s32 $0x7D;
	s15 =	simm.s32 $0x2800;
	s8 =	smul.u32 $0x14000, s0  }
0x5: {  	[smem:$0x7FF] =	sst s3;
	s1 =	sshll.u32 s4, $0x4;
	s9 =	smul.u32 $0x50000, s0  }
0x6: {  	s29 =	ssub.s32 $0x2, s4;
	s16 =	sshll.u32 s0, $0x6;
	s1 =	sor.u32 s0, s1  }
0x7: {  	s31 =	sshrl.u32 s29, $0x1;
	s16 =	sor.u32 $0x1C01, s16;
	s6 =	smul.u32 $0x500, s1  }
0x8: {  	s1 =	rddreg [dreg:$0x2];
	_ =	strace $0x80000047;
	s30 =	sshrl.u32 s9, $0x2  }
0x9: {  	s28 =	sadd.s32 s8, s7;
	s12 =	ssub.s32 s29, s31;
	s4 =	sadd.s32 s30, s2  }
0xa: {  	s10 =	sadd.s32 s6, s5;
	s6 =	sshrl.u32 s28, $0x3;
	s7 =	sadd.s32 $0xC000, s4  }
0xb: {  	s8 =	sadd.s32 $0x10000, s4;
	s17 =	sshrl.u32 s4, $0x3;
	s11 =	sadd.s32 s6, s5  }
0xc: {  	s5 =	sadd.s32 $0x4000, s4;
	s6 =	sadd.s32 $0x8000, s4;
	s9 =	sadd.s32 $0x3000, s10  }
0xd: {  	v0 =	vimm.f32 $0.0e+00;
	v1 =	vimm.f32 $1.000000000e+00;
	s10 =	sadd.s32 $0xD000, s11;
	s11 =	smax.u32 s12, $0x1;
	s12 =	simm.s32 $0x6800  }
.LBB2_1:
0xe: {  	s18 =	simm.s32 $0x200;
	s19 =	simm.s32 $0x0  }
.LBB2_2:
0xf: {  	p0 =	sne.s32 s18, $0xFE00;
	[tilespmem:s19+$0x6800] =	vst v0;
	s19 =	smov.u32 s18;
	s18 =	sadd.s32 $0x200, s18  }
.Ltmp0:
0x10: {  	(pc) =	sbr.rel @p0 .LBB2_2-.Ltmp0, $2  }
0x11: {  	_ =	sdelay $0x2  }
0x12: {  	s19 =	sshra.s32 s19, $0x2  }
0x13: {  	[tilespmem:s19+$0x6800] =	vst v0  }
0x14: {  	[spmem:s4] =	stream.linear.scatter [tilespmem:s12], [sflag:$0x1], $0x4000, $0x38;
	[tilespmem:$0xD000] =	vst v63  }
0x15: {  	_ =	swait.ge [sflag:s13], $0x4000  }
0x16: {  	[sflag:s13] =	ssyncset.done $0x0  }
0x17: {  	[sflag:s13] =	ssyncadd.s32 $0xFFFFC000  }
0x18: {  	[spmem:s5] =	stream.linear.scatter [tilespmem:s12], [sflag:$0x1], $0x4000, $0x38;
	[tilespmem:$0xD000] =	vst v63  }
0x19: {  	_ =	swait.ge [sflag:s13], $0x4000  }
0x1a: {  	[sflag:s13] =	ssyncset.done $0x0  }
0x1b: {  	[sflag:s13] =	ssyncadd.s32 $0xFFFFC000  }
0x1c: {  	[spmem:s6] =	stream.linear.scatter [tilespmem:s12], [sflag:$0x1], $0x4000, $0x38;
	[tilespmem:$0xD000] =	vst v63  }
0x1d: {  	_ =	swait.ge [sflag:s13], $0x4000  }
0x1e: {  	[sflag:s13] =	ssyncset.done $0x0  }
0x1f: {  	[sflag:s13] =	ssyncadd.s32 $0xFFFFC000  }
0x20: {  	[spmem:s7] =	stream.linear.scatter [tilespmem:s12], [sflag:$0x1], $0x4000, $0x38;
	[tilespmem:$0xD000] =	vst v63  }
0x21: {  	_ =	swait.ge [sflag:s13], $0x4000  }
0x22: {  	[sflag:s13] =	ssyncset.done $0x0  }
0x23: {  	[sflag:s13] =	ssyncadd.s32 $0xFFFFC000  }
0x24: {  	[spmem:s8] =	stream.linear.scatter [tilespmem:s12], [sflag:$0x1], $0x4000, $0x38;
	[tilespmem:$0xD000] =	vst v63  }
0x25: {  	_ =	swait.ge [sflag:s13], $0x4000  }
0x26: {  	[sflag:s13] =	ssyncset.done $0x0  }
0x27: {  	s18 =	simm.s32 $0x200;
	s19 =	simm.s32 $0x0;
	[sflag:s13] =	ssyncadd.s32 $0xFFFFC000  }
.LBB2_4:
0x28: {  	p0 =	sne.s32 s18, $0xF800;
	[tilespmem:s19+$0x2800] =	vst v1;
	s19 =	smov.u32 s18;
	s18 =	sadd.s32 $0x200, s18  }
.Ltmp1:
0x29: {  	(pc) =	sbr.rel @p0 .LBB2_4-.Ltmp1, $2  }
0x2a: {  	_ =	sdelay $0x2  }
0x2b: {  	s19 =	sshra.s32 s19, $0x2  }
0x2c: {  	[tilespmem:s19+$0x2800] =	vst v1;
	s18 =	simm.s32 $0x0  }
0x2d: {  	[tilespmem:s18], [sflag:$0x1] =	stream.linear.gather [hbm4b:s9+s18], $0x2800, $0x38;
	[tilespmem:$0xD000] =	vst v63  }
0x2e: {  	_ =	swait.ge [sflag:s13], $0x2800  }
0x2f: {  	[sflag:s13] =	ssyncset.done $0x0  }
0x30: {  	[sflag:s13] =	ssyncadd.s32 $0xFFFFD800  }
0x31: {  	s31 =	simm.s32 $0x0;
	[bflag:$0x0] =	sbarrier.arrive $0xFFFF  }
0x32: {  	[spmem:s2] =	stream.indirect.scatter.add.f32 [tilespmem:s15], [sflag:$0x1], $0x10, s31, s14, $0xb8;
	[tilespmem:$0xD000] =	vst v63  }
0x33: {  	_ =	swait.ge [sflag:s13], $0x7D0  }
0x34: {  	s18 =	simm.s32 $0x200;
	[sflag:s13] =	ssyncset.done $0x0  }
.LBB2_6:
0x35: {  	s19 =	sshra.s32 s18, $0x2;
	[sflag:s13] =	ssyncadd.s32 $0xFFFFF830;
	p0 =	sne.s32 s18, $0x9E00  }
0x36: {  	[spmem:s2] =	stream.indirect.scatter.add.f32 [tilespmem:s15], [sflag:$0x1], $0x10, s19, s14, $0xb8;
	[tilespmem:$0xD000] =	vst v63  }
.Ltmp2:
0x37: {  	_ = 	snop;
	(pc) =	sbr.rel @p0 .LBB2_6-.Ltmp2, $4  }
0x38: {  	_ = 	snop  }
0x39: {  	s18 =	sadd.s32 $0x200, s18  }
0x3a: {  	_ =	swait.ge [sflag:s13], $0x7D0  }
0x3b: {  	[sflag:s13] =	ssyncset.done $0x0  }
0x3c: {  	s3 =	sadd.s32 $0x1, s3  }
0x3d: {  	[sflag:s13] =	ssyncadd.s32 $0xFFFFF830;
	p0 =	sne.s32 s3, s11  }
.Ltmp3:
0x3e: {  	[bflag:$0x0] =	sbarrier.arrive $0xFFFF;
	(pc) =	sbr.rel @p0 .LBB2_1-.Ltmp3, $4  }
0x3f: {  	[hbm:s10], [sflag:s16] =	dma.local [spmem:s17], $0x2800  }
0x40: {  	_ =	swait.ge [sflag:s13], $0x2800  }
0x41: {  	[sflag:s13] =	ssyncset.done $0x0  }
0x42: {  	[sflag:s13] =	ssyncadd.s32 $0xFFFFD800  }
0x43: {  	_ =	sfence.sel $0x180000  }
0x44: {  	[bflag:$0x0] =	sbarrier.arrive $0xFFFF  }
0x45: {  	p0 =	sne.s32 s0, $0x0;
	_ =	strace $0x90000047  }
0x46: {  	s0 =	sadd.s32 @!p0 $0x100000, s1;
	[bflag:$0x2] =	sbarrier.arrive $0xFFFF  }
0x47: {  	[sflag:s0] =	ssyncadd.tile.s32 @!p0 $0x1;
	_ =	shalt  }
.Lfunc_end2:
_tile_overlayer_lowered:
.L_overlay_start_2:
0x48: {  	(tag) =	ssettag $0x2  }
0x49: {  	s0 =	rddreg [dreg:$0x0];
	s2 =	stileid.u32  }
0x4a: {  	s1 =	rddreg [dreg:$0x1];
	p0 =	sne.s32 s2, $0x0  }
0x4b: {  	s3 =	rddreg [dreg:$0x2];
	[bflag:$0x3] =	sbarrier.arrive $0xFFFF;
	s2 =	simm.s32 @!p0 $0x1C01  }
0x4c: {  	[timem:s3], [sflag:s2] =	dma.local @!p0 [hbm:s0], s1  }
0x4d: {  	s0 =	simm.s32 @!p0 $0x1  }
0x4e: {  	_ =	swait.ge @!p0 [sflag:s0], s1  }
0x4f: {  	s1 =	ssub.s32 @!p0 $0x0, s1;
	[sflag:s0] =	ssyncset.done @!p0 $0x0  }
0x50: {  	[sflag:s0] =	ssyncadd.s32 @!p0 s1  }
0x51: {  	[bflag:$0x3] =	sbarrier.arrive $0xFFFF  }
0x52: {  	_ =	shalt  }

// kernel: kernel.13.cloned.1.call-start
scs
__scs_entry_jumppad:
0x0: {  	(pc) =	sbr.rel $0x88, $3  }
0x1: {  	(tag) =	ssettag $0x0;
	lr =	simm.s32 $0x1  }
0x2: {  	[smem:$0x3F96] =	sst lr;
	_ =	strace $0xD0000000  }
0x3: {  	_ = 	snop  }
0x4: {  	_ = 	snop  }
0x5: {  	_ = 	snop  }
0x6: {  	_ = 	snop  }
0x7: {  	_ = 	snop  }
__scs_overlays_trampoline_lowered:
0x8: {  	[smem:$0x3FA5] =	sst s0  }
0x9: {  	[smem:$0x3FA6] =	sst s1  }
0xa: {  	[smem:$0x3FA7] =	sst s2  }
0xb: {  	[smem:$0x3FA8] =	sst s3  }
0xc: {  	[smem:$0x3FA9] =	sst s4  }
0xd: {  	[smem:$0x3FAA] =	sst s5  }
0xe: {  	[smem:$0x3FAB] =	sst s6  }
0xf: {  	[smem:$0x3FAC] =	sst s7  }
0x10: {  	[smem:$0x3FAD] =	sst s8  }
0x11: {  	[smem:$0x3FAE] =	sst s9;
	s0 =	simm.s32 @!p0 $0x0  }
0x12: {  	s1 =	sld [smem:$0x3F94];
	s0 =	simm.s32 @p0 $0x1  }
0x13: {  	[smem:$0x3FAF] =	sst s0;
	s0 =	simm.s32 @!p1 $0x0  }
0x14: {  	s2 =	sld [smem:$0x3F93];
	s0 =	simm.s32 @p1 $0x1  }
0x15: {  	[smem:$0x3FB0] =	sst s0;
	s0 =	simm.s32 @!p2 $0x0  }
0x16: {  	s3 =	sld [smem:$0x3FDB];
	s0 =	simm.s32 @p2 $0x1  }
0x17: {  	s4 =	simm.s32 $0x1BF5;
	[smem:$0x3FB2] =	sst s0  }
0x18: {  	s0 =	sld [smem:$0x3F95];
	_ =	swait.ge [sflag:s4], $0x0  }
0x19: {  	s7 =	sld [smem:$0x3F96]  }
0x1a: {  	s8 =	sadd.s32 $0xFFFFE003, lr  }
0x1b: {  	s9 =	sadd.s32 $0xFFFFFEF7, lr;
	s5 =	simm.s32 $0xFFFFFFFF;
	p2 =	slt.u32 s8, $0xFFFFF086  }
0x1c: {  	p1 =	slt.u32 s9, $0xF7A;
	s5 =	simm.s32 @!p2 $0x0  }
0x1d: {  	s5 =	simm.s32 @p1 $0x1;
	p0 =	seq.s32 s7, s2  }
0x1e: {  	s7 =	smul.u32 @!p0 $0xF7A, s2;
	p2 =	seq.s32 @!p0 s5, $0x0  }
0x1f: {  	s9 =	smul.u32 $0xF7A, s1;
	s8 =	simm.s32 @!p0 $0x1BF5;
	p2 =	por !p2, p0  }
0x20: {  	[sflag:s8] =	ssyncset.s32 @!p0 $0xFFFFF086;
	s6 =	sadd.s32 @!p0 s3, s7;
	s7 =	simm.s32 @!p0 $0x108  }
0x21: {  	s3 =	sadd.s32 s3, s9;
	s6 =	sadd.s32 @!p0 $0x88, s6;
	s7 =	simm.s32 @p2 $0x1082  }
0x22: {  	[simem:s7], [sflag:s8] =	dma.local @!p0 [hbm:s6], $0xF7A  }
0x23: {  	s9 =	sor.u32 $0xD0000000, s2;
	s6 =	simm.s32 $0x108;
	_ =	swait.ge @!p0 [sflag:s8], $0x0  }
0x24: {  	s3 =	sadd.s32 $0x88, s3;
	s6 =	simm.s32 @!p1 $0x1082;
	[sflag:s4] =	ssyncset.s32 $0xFFFFF086  }
0x25: {  	[simem:s6], [sflag:s4] =	dma.local [hbm:s3], $0xF7A  }
0x26: {  	[smem:$0x3F96] =	sst s1;
	(tag) =	ssettag s2;
	_ =	strace s9  }
0x27: {  	s1 =	sld [smem:$0x3FA6]  }
0x28: {  	s2 =	sld [smem:$0x3FA7]  }
0x29: {  	s4 =	sld [smem:$0x3FA9]  }
0x2a: {  	p0 =	seq.s32 s5, $0x0;
	s5 =	sld [smem:$0x3FAA]  }
0x2b: {  	s6 =	sld [smem:$0x3FAB]  }
0x2c: {  	s7 =	sld [smem:$0x3FAC]  }
0x2d: {  	s3 =	simm.s32 $0x108;
	s8 =	sld [smem:$0x3FAD]  }
0x2e: {  	s3 =	simm.s32 @!p0 $0x1082;
	s9 =	sld [smem:$0x3FAE]  }
0x2f: {  	lr =	sadd.s32 s0, s3;
	s0 =	sld [smem:$0x3FA5]  }
0x30: {  	s3 =	sld [smem:$0x3FA8]  }
0x31: {  	[smem:$0x3FB1] =	sst s10  }
0x32: {  	s10 =	sld [smem:$0x3FAF];
	_ =	sdelay $0x3  }
0x33: {  	p0 =	seq.s32 s10, $0x1;
	s10 =	sld [smem:$0x3FB1];
	_ =	sdelay $0x3  }
0x34: {  	[smem:$0x3FB1] =	sst s10  }
0x35: {  	s10 =	sld [smem:$0x3FB0];
	_ =	sdelay $0x3  }
0x36: {  	p1 =	seq.s32 s10, $0x1;
	s10 =	sld [smem:$0x3FB1];
	_ =	sdelay $0x3  }
0x37: {  	[smem:$0x3FB1] =	sst s10  }
0x38: {  	s10 =	sld [smem:$0x3FB2]  }
0x39: {  	_ = 	snop;
	(pc) =	sbr.ind lr, $3  }
0x3a: {  	_ = 	snop  }
0x3b: {  	_ = 	snop  }
0x3c: {  	p2 =	seq.s32 s10, $0x1;
	s10 =	sld [smem:$0x3FB1]  }
0x3d: {  	_ =	shalt  }
0x3e: {  	_ =	shalt  }
0x3f: {  	_ =	shalt  }
0x40: {  	_ =	shalt  }
0x41: {  	_ =	shalt  }
0x42: {  	_ =	shalt  }
0x43: {  	_ =	shalt  }
0x44: {  	_ =	shalt  }
0x45: {  	_ =	shalt  }
0x46: {  	_ =	shalt  }
0x47: {  	_ =	shalt  }
0x48: {  	_ =	shalt  }
0x49: {  	_ =	shalt  }
0x4a: {  	_ =	shalt  }
0x4b: {  	_ =	shalt  }
0x4c: {  	_ =	shalt  }
0x4d: {  	_ =	shalt  }
0x4e: {  	_ =	shalt  }
0x4f: {  	_ =	shalt  }
0x50: {  	_ =	shalt  }
0x51: {  	_ =	shalt  }
0x52: {  	_ =	shalt  }
0x53: {  	_ =	shalt  }
0x54: {  	_ =	shalt  }
0x55: {  	_ =	shalt  }
0x56: {  	_ =	shalt  }
0x57: {  	_ =	shalt  }
0x58: {  	_ =	shalt  }
0x59: {  	_ =	shalt  }
0x5a: {  	_ =	shalt  }
0x5b: {  	_ =	shalt  }
0x5c: {  	_ =	shalt  }
0x5d: {  	_ =	shalt  }
0x5e: {  	_ =	shalt  }
0x5f: {  	_ =	shalt  }
0x60: {  	_ =	shalt  }
0x61: {  	_ =	shalt  }
0x62: {  	_ =	shalt  }
0x63: {  	_ =	shalt  }
0x64: {  	_ =	shalt  }
0x65: {  	_ =	shalt  }
0x66: {  	_ =	shalt  }
0x67: {  	_ =	shalt  }
0x68: {  	_ =	shalt  }
0x69: {  	_ =	shalt  }
0x6a: {  	_ =	shalt  }
0x6b: {  	_ =	shalt  }
0x6c: {  	_ =	shalt  }
0x6d: {  	_ =	shalt  }
0x6e: {  	_ =	shalt  }
0x6f: {  	_ =	shalt  }
0x70: {  	_ =	shalt  }
0x71: {  	_ =	shalt  }
0x72: {  	_ =	shalt  }
0x73: {  	_ =	shalt  }
0x74: {  	_ =	shalt  }
0x75: {  	_ =	shalt  }
0x76: {  	_ =	shalt  }
0x77: {  	_ =	shalt  }
0x78: {  	_ =	shalt  }
0x79: {  	_ =	shalt  }
0x7a: {  	_ =	shalt  }
0x7b: {  	_ =	shalt  }
0x7c: {  	_ =	shalt  }
0x7d: {  	_ =	shalt  }
0x7e: {  	_ =	shalt  }
0x7f: {  	_ =	shalt  }
0x80: {  	_ =	shalt  }
0x81: {  	_ =	shalt  }
0x82: {  	_ =	shalt  }
0x83: {  	_ =	shalt  }
0x84: {  	_ =	shalt  }
0x85: {  	_ =	shalt  }
0x86: {  	_ =	shalt  }
0x87: {  	_ =	shalt  }
.Lfunc_end0:
.L_simem_size_0:
called_computation.1_lowered:
.L_overlay_start_0:
0x88: {  	s2 =	sld [smem:$0x3FD9]  }
0x89: {  	s3 =	sld [smem:$0x3FFE];
	_ =	sdelay $0x1  }
0x8a: {  	s1 =	srdreg.scid  }
0x8b: {  	s0 =	sand.u32 $0x1, s1  }
0x8c: {  	s16 =	sshll.u32 s0, $0xA;
	s2 =	sadd.s32 s3, s2  }
0x8d: {  	s2 =	sadd.s32 s2, s16  }
0x8e: {  	[smem:$0x3FBD] =	sst s2  }
0x8f: {  	_ = 	snop  }
0x90: {  	(tm) =	ssettm $0x1  }
0x91: {  	s17 =	sld [smem:$0x3FFB];
	_ =	sdelay $0x3  }
0x92: {  	_ =	strace s17  }
0x93: {  	s2 =	sld [smem:$0x3FFC];
	_ =	sdelay $0x3  }
0x94: {  	_ =	strace s2  }
0x95: {  	s2 =	sld [smem:$0x3FFD];
	_ =	sdelay $0x3  }
0x96: {  	_ =	strace s2  }
0x97: {  	_ =	strace $0x8FFFFFFF  }
0x98: {  	s18 =	sld [smem:$0x3FDB];
	_ =	sdelay $0x1  }
0x99: {  	s19 =	simm.s32 $_scs_section_size  }
0x9a: {  	s4 =	simm.s32 $_size__tile_overlayer_lowered;
	s5 =	simm.s32 $_tile_overlayer_lowered  }
0x9b: {  	s22 =	simm.s32 $0x1BFF;
	s21 =	sshll.u32 s5, $0x1;
	s2 =	sadd.s32 s19, s18  }
0x9c: {  	s6 =	simm.s32 $0x0;
	s20 =	sshll.u32 s4, $0x1;
	s4 =	sadd.s32 s21, s2  }
0x9d: {  	[timem:s6], [sflag:s22] =	dma.local [hbm:s4], s20  }
0x9e: {  	_ =	swait.ge [sflag:s22], s20  }
0x9f: {  	s3 =	ssub.s32 $0x0, s20;
	[sflag:s22] =	ssyncset.done $0x0  }
0xa0: {  	[sflag:s22] =	ssyncadd.s32 s3;
	_ =	sdelay $0x1  }
0xa1: {  	s23 =	simm.s32 $0x1B8B  }
0xa2: {  	_ =	swait.ge [sflag:s23], $0x1  }
0xa3: {  	[sflag:s23] =	ssyncset.done $0x0  }
0xa4: {  	s25 =	simm.s32 $0x1B8E;
	s24 =	sld [smem:$0x3FFE];
	[sflag:s23] =	ssyncadd.s32 $0xFFFFFFFF  }
0xa5: {  	s26 =	simm.s32 $execute0_lowered;
	[smem:$0x3FD2] =	sst s25  }
0xa6: {  	s4 =	sshll.u32 s26, $0x1;
	_ =	strace $0x80000049;
	[dreg:$0x1] =	wrdreg $0xFFFFFFFF  }
0xa7: {  	s28 =	simm.s32 $_size_execute0_lowered;
	s2 =	sadd.s32 s2, s4;
	[dreg:$0x0] =	wrdreg $0x0  }
0xa8: {  	s4 =	sshll.u32 s28, $0x1;
	[dreg:$0x2] =	wrdreg s2  }
0xa9: {  	[dreg:$0x3] =	wrdreg s4  }
0xaa: {  	[dreg:$0x4] =	wrdreg $0xC0  }
0xab: {  	_ =	task [dreg:s6], $0x5FFFF  }
0xac: {  	[dreg:$0x1] =	wrdreg $0xFFFFFFFF  }
0xad: {  	[dreg:$0x0] =	wrdreg $0x60  }
0xae: {  	[dreg:$0x2] =	wrdreg s24  }
0xaf: {  	[dreg:$0x3] =	wrdreg $0x90000  }
0xb0: {  	[dreg:$0x4] =	wrdreg $0x9  }
0xb1: {  	_ =	task.clear_ibuf [dreg:s6], $0x5FFFF;
	_ =	strace $0x90000049  }
0xb2: {  	s29 =	simm.s32 $0x9;
	_ =	strace $0x8000004B  }
0xb3: {  	_ =	swait.ge [sflag:s29], $0x1  }
0xb4: {  	[sflag:s29] =	ssyncadd.s32 $0xFFFFFFFF  }
0xb5: {  	_ =	strace $0x9000004B  }
0xb6: {  	_ =	sfence  }
0xb7: {  	s30 =	sld [smem:$0x0];
	_ =	sdelay $0x2  }
0xb8: {  	s31 =	sshll.u32 s1, $0xD;
	s1 =	sshrl.u32 s1, $0x2  }
0xb9: {  	s3 =	sand.u32 $0x4000, s31;
	s1 =	sadd.s32 s1, s30  }
0xba: {  	s0 =	sor.u32 s3, s0;
	s1 =	sshll.u32 s1, $0x11  }
0xbb: {  	s0 =	sor.u32 s1, s0  }
0xbc: {  	s0 =	sadd.s32 $0x8F2B, s0  }
0xbd: {  	[sflag:s0] =	ssyncadd.remote.s32 $0x1  }
0xbe: {  	_ =	sfence.sel $0xFFFF  }
0xbf: {  	[dreg:$0x0] =	wrdreg $0xFFFFFFFF;
	(pc) =	sbr.abs _section_cstart, $3  }
0xc0: {  	[dreg:$0x1] =	wrdreg $0xFFFFFFFF  }
0xc1: {  	_ =	task.clear_ibuf [dreg:s6], $0x2FFFF;
	_ =	strace $0x9FFFFFFF  }
0xc2: {  	(tm) =	ssettm $0x7FFFFFFF  }
0xc3: {  	_ =	shalt  }
tec
execute0_lowered:
.L_overlay_start_1:
0x0: {  	(tag) =	ssettag $0x1  }
0x1: {  	s0 =	srdreg.scid;
	s6 =	rddreg [dreg:$0x0]  }
0x2: {  	s2 =	rddreg [dreg:$0x1];
	s3 =	simm.s32 $0x0;
	s14 =	simm.s32 $0x7D  }
0x3: {  	s15 =	simm.s32 $0x5000;
	s5 =	sand.u32 $0x1, s0;
	s0 =	stileid.u32  }
0x4: {  	s16 =	simm.s32 $0x1;
	s17 =	simm.s32 $0x0;
	s8 =	smul.u32 $0x14000, s0  }
0x5: {  	[smem:$0x7FF] =	sst s3;
	s1 =	sshll.u32 s5, $0x4;
	s9 =	smul.u32 $0x140000, s5  }
0x6: {  	s5 =	ssub.s32 $0x2, s5;
	s29 =	smul.u32 $0x50000, s0;
	s31 =	sshll.u32 s0, $0x6  }
0x7: {  	s4 =	sor.u32 s0, s1;
	s1 =	rddreg [dreg:$0x2];
	_ =	strace $0x8000004A  }
0x8: {  	s11 =	sshrl.u32 s5, $0x1;
	s7 =	smul.u32 $0x500, s4;
	s4 =	sadd.s32 $0xD000, s6  }
0x9: {  	s28 =	sshrl.u32 s8, $0x3;
	s8 =	sadd.s32 s8, s9;
	s30 =	sshrl.u32 s29, $0x2  }
0xa: {  	s11 =	ssub.s32 s5, s11;
	s8 =	sshrl.u32 s8, $0x3;
	s13 =	sadd.s32 s30, s2  }
0xb: {  	s10 =	sadd.s32 s7, s6;
	s7 =	sadd.s32 s28, s6;
	s12 =	sadd.s32 s8, s6  }
0xc: {  	s6 =	sor.u32 $0x1C02, s31;
	s5 =	sadd.s32 $0x34200, s7;
	s7 =	sadd.s32 $0x5D000, s10  }
0xd: {  	s8 =	sadd.s32 $0x3000, s10;
	s9 =	sadd.s32 $0x67000, s12;
	s10 =	smax.u32 s11, $0x1  }
0xe: {  	s11 =	sshrl.u32 s13, $0x3;
	s12 =	simm.s32 $0x2;
	s13 =	simm.s32 $0x2800  }
.LBB2_1:
0xf: {  	[spmem:s11], [sflag:s6] =	dma.local [hbm:s5], $0x2800  }
0x10: {  	_ =	swait.ge [sflag:s12], $0x2800  }
0x11: {  	[sflag:s12] =	ssyncset.done $0x0  }
0x12: {  	[sflag:s12] =	ssyncadd.s32 $0xFFFFD800  }
0x13: {  	[tilespmem:s3], [sflag:$0x2] =	stream.linear.gather [hbm4b:s7+s3], $0x2800, $0x38;
	[tilespmem:$0x1D000] =	vst v63  }
0x14: {  	_ =	swait.ge [sflag:s12], $0x2800  }
0x15: {  	[sflag:s12] =	ssyncset.done $0x0  }
0x16: {  	[sflag:s12] =	ssyncadd.s32 $0xFFFFD800  }
0x17: {  	[tilespmem:s13], [sflag:$0x2] =	stream.linear.gather [hbm4b:s8+s3], $0x2800, $0x38;
	[tilespmem:$0x1D000] =	vst v63  }
0x18: {  	_ =	swait.ge [sflag:s12], $0x2800  }
0x19: {  	[sflag:s12] =	ssyncset.done $0x0  }
0x1a: {  	[sflag:s12] =	ssyncadd.s32 $0xFFFFD800  }
0x1b: {  	s18 =	simm.s32 $0x0;
	[bflag:$0x0] =	sbarrier.arrive $0xFFFF  }
0x1c: {  	[tilespmem:s15], [sflag:$0x1] =	stream.indirect.gather [hbm4b:s4+s14], $0x80, s18, s14, $0xb8;
	[tilespmem:$0x1D000] =	vst v63  }
0x1d: {  	_ =	swait.ge [sflag:s16], $0x3E80  }
0x1e: {  	[sflag:s16] =	ssyncset.done $0x0  }
0x1f: {  	s31 =	simm.s32 $0x2800;
	[sflag:s16] =	ssyncadd.s32 $0xFFFFC180  }
0x20: {  	[spmem:s2] =	stream.indirect.scatter.add.f32 [tilespmem:s15], [sflag:$0x2], $0x80, s31, s14, $0xb8;
	[tilespmem:$0x1D000] =	vst v63  }
0x21: {  	_ =	swait.ge [sflag:s12], $0x3E80  }
0x22: {  	s19 =	simm.s32 $0x400;
	s18 =	simm.s32 $0x200;
	[sflag:s12] =	ssyncset.done $0x0  }
.LBB2_2:
0x23: {  	s20 =	sshra.s32 s18, $0x2  }
0x24: {  	[sflag:s12] =	ssyncadd.s32 $0xFFFFC180;
	s18 =	smov.u32 s19;
	s21 =	sadd.s32 $0x200, s19  }
0x25: {  	[tilespmem:s15], [sflag:$0x1] =	stream.indirect.gather [hbm4b:s4+s14], $0x80, s20, s14, $0xb8;
	[tilespmem:$0x1D000] =	vst v63  }
0x26: {  	p0 =	sne.s32 s19, $0x9E00;
	_ =	swait.ge [sflag:s16], $0x3E80  }
.Ltmp0:
0x27: {  	[sflag:s16] =	ssyncset.done $0x0;
	(pc) =	sbr.rel @p0 .LBB2_2-.Ltmp0, $4  }
0x28: {  	s19 =	sadd.s32 $0x2800, s20;
	[sflag:s16] =	ssyncadd.s32 $0xFFFFC180  }
0x29: {  	[spmem:s2] =	stream.indirect.scatter.add.f32 [tilespmem:s15], [sflag:$0x2], $0x80, s19, s14, $0xb8;
	[tilespmem:$0x1D000] =	vst v63  }
0x2a: {  	_ =	swait.ge [sflag:s12], $0x3E80  }
0x2b: {  	s19 =	smov.u32 s21;
	[sflag:s12] =	ssyncset.done $0x0  }
0x2c: {  	s18 =	sshra.s32 s18, $0x2;
	[sflag:s12] =	ssyncadd.s32 $0xFFFFC180  }
0x2d: {  	[tilespmem:s15], [sflag:$0x1] =	stream.indirect.gather [hbm4b:s4+s14], $0x80, s18, s14, $0xb8;
	[tilespmem:$0x1D000] =	vst v63  }
0x2e: {  	_ =	swait.ge [sflag:s16], $0x3E80  }
0x2f: {  	[sflag:s16] =	ssyncset.done $0x0  }
0x30: {  	s18 =	sadd.s32 $0x2800, s18;
	[sflag:s16] =	ssyncadd.s32 $0xFFFFC180  }
0x31: {  	[spmem:s2] =	stream.indirect.scatter.add.f32 [tilespmem:s15], [sflag:$0x2], $0x80, s18, s14, $0xb8;
	[tilespmem:$0x1D000] =	vst v63  }
0x32: {  	_ =	swait.ge [sflag:s12], $0x3E80  }
0x33: {  	s17 =	sadd.s32 $0x1, s17;
	[sflag:s12] =	ssyncset.done $0x0  }
0x34: {  	p0 =	sne.s32 s17, s10;
	[sflag:s12] =	ssyncadd.s32 $0xFFFFC180  }
.Ltmp1:
0x35: {  	[bflag:$0x0] =	sbarrier.arrive $0xFFFF;
	(pc) =	sbr.rel @p0 .LBB2_1-.Ltmp1, $4  }
0x36: {  	[hbm:s9], [sflag:s6] =	dma.local [spmem:s11], $0x2800  }
0x37: {  	_ =	swait.ge [sflag:s12], $0x2800  }
0x38: {  	[sflag:s12] =	ssyncset.done $0x0  }
0x39: {  	[sflag:s12] =	ssyncadd.s32 $0xFFFFD800  }
0x3a: {  	_ =	sfence.sel $0x180000  }
0x3b: {  	[bflag:$0x0] =	sbarrier.arrive $0xFFFF  }
0x3c: {  	p0 =	sne.s32 s0, $0x0;
	_ =	strace $0x9000004A  }
0x3d: {  	s0 =	sadd.s32 @!p0 $0x100000, s1;
	[bflag:$0x2] =	sbarrier.arrive $0xFFFF  }
0x3e: {  	[sflag:s0] =	ssyncadd.tile.s32 @!p0 $0x1;
	_ =	shalt  }
.Lfunc_end2:
_tile_overlayer_lowered:
.L_overlay_start_2:
0x3f: {  	(tag) =	ssettag $0x2  }
0x40: {  	s0 =	rddreg [dreg:$0x0];
	s2 =	stileid.u32  }
0x41: {  	s1 =	rddreg [dreg:$0x1];
	p0 =	sne.s32 s2, $0x0  }
0x42: {  	s3 =	rddreg [dreg:$0x2];
	[bflag:$0x3] =	sbarrier.arrive $0xFFFF;
	s2 =	simm.s32 @!p0 $0x1C02  }
0x43: {  	[timem:s3], [sflag:s2] =	dma.local @!p0 [hbm:s0], s1  }
0x44: {  	s0 =	simm.s32 @!p0 $0x2  }
0x45: {  	_ =	swait.ge @!p0 [sflag:s0], s1  }
0x46: {  	s1 =	ssub.s32 @!p0 $0x0, s1;
	[sflag:s0] =	ssyncset.done @!p0 $0x0  }
0x47: {  	[sflag:s0] =	ssyncadd.s32 @!p0 s1  }
0x48: {  	[bflag:$0x3] =	sbarrier.arrive $0xFFFF  }
0x49: {  	_ =	shalt  }

// kernel: kernel.16.cloned.1.call-start
scs
__scs_entry_jumppad:
0x0: {  	(pc) =	sbr.rel $0x88, $3  }
0x1: {  	(tag) =	ssettag $0x0;
	lr =	simm.s32 $0x1  }
0x2: {  	[smem:$0x3F96] =	sst lr;
	_ =	strace $0xD0000000  }
0x3: {  	_ = 	snop  }
0x4: {  	_ = 	snop  }
0x5: {  	_ = 	snop  }
0x6: {  	_ = 	snop  }
0x7: {  	_ = 	snop  }
__scs_overlays_trampoline_lowered:
0x8: {  	[smem:$0x3FA5] =	sst s0  }
0x9: {  	[smem:$0x3FA6] =	sst s1  }
0xa: {  	[smem:$0x3FA7] =	sst s2  }
0xb: {  	[smem:$0x3FA8] =	sst s3  }
0xc: {  	[smem:$0x3FA9] =	sst s4  }
0xd: {  	[smem:$0x3FAA] =	sst s5  }
0xe: {  	[smem:$0x3FAB] =	sst s6  }
0xf: {  	[smem:$0x3FAC] =	sst s7  }
0x10: {  	[smem:$0x3FAD] =	sst s8  }
0x11: {  	[smem:$0x3FAE] =	sst s9;
	s0 =	simm.s32 @!p0 $0x0  }
0x12: {  	s1 =	sld [smem:$0x3F94];
	s0 =	simm.s32 @p0 $0x1  }
0x13: {  	[smem:$0x3FAF] =	sst s0;
	s0 =	simm.s32 @!p1 $0x0  }
0x14: {  	s2 =	sld [smem:$0x3F93];
	s0 =	simm.s32 @p1 $0x1  }
0x15: {  	[smem:$0x3FB0] =	sst s0;
	s0 =	simm.s32 @!p2 $0x0  }
0x16: {  	s3 =	sld [smem:$0x3FDB];
	s0 =	simm.s32 @p2 $0x1  }
0x17: {  	s4 =	simm.s32 $0x1BF5;
	[smem:$0x3FB2] =	sst s0  }
0x18: {  	s0 =	sld [smem:$0x3F95];
	_ =	swait.ge [sflag:s4], $0x0  }
0x19: {  	s7 =	sld [smem:$0x3F96]  }
0x1a: {  	s8 =	sadd.s32 $0xFFFFE003, lr  }
0x1b: {  	s9 =	sadd.s32 $0xFFFFFEF7, lr;
	s5 =	simm.s32 $0xFFFFFFFF;
	p2 =	slt.u32 s8, $0xFFFFF086  }
0x1c: {  	p1 =	slt.u32 s9, $0xF7A;
	s5 =	simm.s32 @!p2 $0x0  }
0x1d: {  	s5 =	simm.s32 @p1 $0x1;
	p0 =	seq.s32 s7, s2  }
0x1e: {  	s7 =	smul.u32 @!p0 $0xF7A, s2;
	p2 =	seq.s32 @!p0 s5, $0x0  }
0x1f: {  	s9 =	smul.u32 $0xF7A, s1;
	s8 =	simm.s32 @!p0 $0x1BF5;
	p2 =	por !p2, p0  }
0x20: {  	[sflag:s8] =	ssyncset.s32 @!p0 $0xFFFFF086;
	s6 =	sadd.s32 @!p0 s3, s7;
	s7 =	simm.s32 @!p0 $0x108  }
0x21: {  	s3 =	sadd.s32 s3, s9;
	s6 =	sadd.s32 @!p0 $0x88, s6;
	s7 =	simm.s32 @p2 $0x1082  }
0x22: {  	[simem:s7], [sflag:s8] =	dma.local @!p0 [hbm:s6], $0xF7A  }
0x23: {  	s9 =	sor.u32 $0xD0000000, s2;
	s6 =	simm.s32 $0x108;
	_ =	swait.ge @!p0 [sflag:s8], $0x0  }
0x24: {  	s3 =	sadd.s32 $0x88, s3;
	s6 =	simm.s32 @!p1 $0x1082;
	[sflag:s4] =	ssyncset.s32 $0xFFFFF086  }
0x25: {  	[simem:s6], [sflag:s4] =	dma.local [hbm:s3], $0xF7A  }
0x26: {  	[smem:$0x3F96] =	sst s1;
	(tag) =	ssettag s2;
	_ =	strace s9  }
0x27: {  	s1 =	sld [smem:$0x3FA6]  }
0x28: {  	s2 =	sld [smem:$0x3FA7]  }
0x29: {  	s4 =	sld [smem:$0x3FA9]  }
0x2a: {  	p0 =	seq.s32 s5, $0x0;
	s5 =	sld [smem:$0x3FAA]  }
0x2b: {  	s6 =	sld [smem:$0x3FAB]  }
0x2c: {  	s7 =	sld [smem:$0x3FAC]  }
0x2d: {  	s3 =	simm.s32 $0x108;
	s8 =	sld [smem:$0x3FAD]  }
0x2e: {  	s3 =	simm.s32 @!p0 $0x1082;
	s9 =	sld [smem:$0x3FAE]  }
0x2f: {  	lr =	sadd.s32 s0, s3;
	s0 =	sld [smem:$0x3FA5]  }
0x30: {  	s3 =	sld [smem:$0x3FA8]  }
0x31: {  	[smem:$0x3FB1] =	sst s10  }
0x32: {  	s10 =	sld [smem:$0x3FAF];
	_ =	sdelay $0x3  }
0x33: {  	p0 =	seq.s32 s10, $0x1;
	s10 =	sld [smem:$0x3FB1];
	_ =	sdelay $0x3  }
0x34: {  	[smem:$0x3FB1] =	sst s10  }
0x35: {  	s10 =	sld [smem:$0x3FB0];
	_ =	sdelay $0x3  }
0x36: {  	p1 =	seq.s32 s10, $0x1;
	s10 =	sld [smem:$0x3FB1];
	_ =	sdelay $0x3  }
0x37: {  	[smem:$0x3FB1] =	sst s10  }
0x38: {  	s10 =	sld [smem:$0x3FB2]  }
0x39: {  	_ = 	snop;
	(pc) =	sbr.ind lr, $3  }
0x3a: {  	_ = 	snop  }
0x3b: {  	_ = 	snop  }
0x3c: {  	p2 =	seq.s32 s10, $0x1;
	s10 =	sld [smem:$0x3FB1]  }
0x3d: {  	_ =	shalt  }
0x3e: {  	_ =	shalt  }
0x3f: {  	_ =	shalt  }
0x40: {  	_ =	shalt  }
0x41: {  	_ =	shalt  }
0x42: {  	_ =	shalt  }
0x43: {  	_ =	shalt  }
0x44: {  	_ =	shalt  }
0x45: {  	_ =	shalt  }
0x46: {  	_ =	shalt  }
0x47: {  	_ =	shalt  }
0x48: {  	_ =	shalt  }
0x49: {  	_ =	shalt  }
0x4a: {  	_ =	shalt  }
0x4b: {  	_ =	shalt  }
0x4c: {  	_ =	shalt  }
0x4d: {  	_ =	shalt  }
0x4e: {  	_ =	shalt  }
0x4f: {  	_ =	shalt  }
0x50: {  	_ =	shalt  }
0x51: {  	_ =	shalt  }
0x52: {  	_ =	shalt  }
0x53: {  	_ =	shalt  }
0x54: {  	_ =	shalt  }
0x55: {  	_ =	shalt  }
0x56: {  	_ =	shalt  }
0x57: {  	_ =	shalt  }
0x58: {  	_ =	shalt  }
0x59: {  	_ =	shalt  }
0x5a: {  	_ =	shalt  }
0x5b: {  	_ =	shalt  }
0x5c: {  	_ =	shalt  }
0x5d: {  	_ =	shalt  }
0x5e: {  	_ =	shalt  }
0x5f: {  	_ =	shalt  }
0x60: {  	_ =	shalt  }
0x61: {  	_ =	shalt  }
0x62: {  	_ =	shalt  }
0x63: {  	_ =	shalt  }
0x64: {  	_ =	shalt  }
0x65: {  	_ =	shalt  }
0x66: {  	_ =	shalt  }
0x67: {  	_ =	shalt  }
0x68: {  	_ =	shalt  }
0x69: {  	_ =	shalt  }
0x6a: {  	_ =	shalt  }
0x6b: {  	_ =	shalt  }
0x6c: {  	_ =	shalt  }
0x6d: {  	_ =	shalt  }
0x6e: {  	_ =	shalt  }
0x6f: {  	_ =	shalt  }
0x70: {  	_ =	shalt  }
0x71: {  	_ =	shalt  }
0x72: {  	_ =	shalt  }
0x73: {  	_ =	shalt  }
0x74: {  	_ =	shalt  }
0x75: {  	_ =	shalt  }
0x76: {  	_ =	shalt  }
0x77: {  	_ =	shalt  }
0x78: {  	_ =	shalt  }
0x79: {  	_ =	shalt  }
0x7a: {  	_ =	shalt  }
0x7b: {  	_ =	shalt  }
0x7c: {  	_ =	shalt  }
0x7d: {  	_ =	shalt  }
0x7e: {  	_ =	shalt  }
0x7f: {  	_ =	shalt  }
0x80: {  	_ =	shalt  }
0x81: {  	_ =	shalt  }
0x82: {  	_ =	shalt  }
0x83: {  	_ =	shalt  }
0x84: {  	_ =	shalt  }
0x85: {  	_ =	shalt  }
0x86: {  	_ =	shalt  }
0x87: {  	_ =	shalt  }
.Lfunc_end0:
.L_simem_size_0:
called_computation.2_lowered:
.L_overlay_start_0:
0x88: {  	s2 =	sld [smem:$0x3FD9]  }
0x89: {  	s3 =	sld [smem:$0x3FFE];
	_ =	sdelay $0x1  }
0x8a: {  	s1 =	srdreg.scid  }
0x8b: {  	s0 =	sand.u32 $0x1, s1  }
0x8c: {  	s16 =	sshll.u32 s0, $0xA;
	s2 =	sadd.s32 s3, s2  }
0x8d: {  	s2 =	sadd.s32 s2, s16  }
0x8e: {  	[smem:$0x3FBD] =	sst s2  }
0x8f: {  	_ = 	snop  }
0x90: {  	(tm) =	ssettm $0x1  }
0x91: {  	s17 =	sld [smem:$0x3FFB];
	_ =	sdelay $0x3  }
0x92: {  	_ =	strace s17  }
0x93: {  	s2 =	sld [smem:$0x3FFC];
	_ =	sdelay $0x3  }
0x94: {  	_ =	strace s2  }
0x95: {  	s2 =	sld [smem:$0x3FFD];
	_ =	sdelay $0x3  }
0x96: {  	_ =	strace s2  }
0x97: {  	_ =	strace $0x8FFFFFFF  }
0x98: {  	s18 =	sld [smem:$0x3FDB];
	_ =	sdelay $0x1  }
0x99: {  	s19 =	simm.s32 $_scs_section_size  }
0x9a: {  	s4 =	simm.s32 $_size__tile_overlayer_lowered;
	s5 =	simm.s32 $_tile_overlayer_lowered  }
0x9b: {  	s22 =	simm.s32 $0x1BFF;
	s21 =	sshll.u32 s5, $0x1;
	s2 =	sadd.s32 s19, s18  }
0x9c: {  	s6 =	simm.s32 $0x0;
	s20 =	sshll.u32 s4, $0x1;
	s4 =	sadd.s32 s21, s2  }
0x9d: {  	[timem:s6], [sflag:s22] =	dma.local [hbm:s4], s20  }
0x9e: {  	_ =	swait.ge [sflag:s22], s20  }
0x9f: {  	s3 =	ssub.s32 $0x0, s20;
	[sflag:s22] =	ssyncset.done $0x0  }
0xa0: {  	[sflag:s22] =	ssyncadd.s32 s3;
	_ =	sdelay $0x1  }
0xa1: {  	s23 =	simm.s32 $0x1B8B  }
0xa2: {  	_ =	swait.ge [sflag:s23], $0x1  }
0xa3: {  	[sflag:s23] =	ssyncset.done $0x0  }
0xa4: {  	s25 =	simm.s32 $0x1B8E;
	s24 =	sld [smem:$0x3FFE];
	[sflag:s23] =	ssyncadd.s32 $0xFFFFFFFF  }
0xa5: {  	s26 =	simm.s32 $execute0_lowered;
	[smem:$0x3FD2] =	sst s25  }
0xa6: {  	s4 =	sshll.u32 s26, $0x1;
	_ =	strace $0x8000004C;
	[dreg:$0x1] =	wrdreg $0xFFFFFFFF  }
0xa7: {  	s28 =	simm.s32 $_size_execute0_lowered;
	s2 =	sadd.s32 s2, s4;
	[dreg:$0x0] =	wrdreg $0x0  }
0xa8: {  	s4 =	sshll.u32 s28, $0x1;
	[dreg:$0x2] =	wrdreg s2  }
0xa9: {  	[dreg:$0x3] =	wrdreg s4  }
0xaa: {  	[dreg:$0x4] =	wrdreg $0xC0  }
0xab: {  	_ =	task [dreg:s6], $0x5FFFF  }
0xac: {  	[dreg:$0x1] =	wrdreg $0xFFFFFFFF  }
0xad: {  	[dreg:$0x0] =	wrdreg $0x60  }
0xae: {  	[dreg:$0x2] =	wrdreg s24  }
0xaf: {  	[dreg:$0x3] =	wrdreg $0x90000  }
0xb0: {  	[dreg:$0x4] =	wrdreg $0x9  }
0xb1: {  	_ =	task.clear_ibuf [dreg:s6], $0x5FFFF;
	_ =	strace $0x9000004C  }
0xb2: {  	s29 =	simm.s32 $0x9;
	_ =	strace $0x8000004E  }
0xb3: {  	_ =	swait.ge [sflag:s29], $0x1  }
0xb4: {  	[sflag:s29] =	ssyncadd.s32 $0xFFFFFFFF  }
0xb5: {  	_ =	strace $0x9000004E  }
0xb6: {  	_ =	sfence  }
0xb7: {  	s30 =	sld [smem:$0x0];
	_ =	sdelay $0x2  }
0xb8: {  	s31 =	sshll.u32 s1, $0xD;
	s1 =	sshrl.u32 s1, $0x2  }
0xb9: {  	s3 =	sand.u32 $0x4000, s31;
	s1 =	sadd.s32 s1, s30  }
0xba: {  	s0 =	sor.u32 s3, s0;
	s1 =	sshll.u32 s1, $0x11  }
0xbb: {  	s0 =	sor.u32 s1, s0  }
0xbc: {  	s0 =	sadd.s32 $0x8F2B, s0  }
0xbd: {  	[sflag:s0] =	ssyncadd.remote.s32 $0x1  }
0xbe: {  	_ =	sfence.sel $0xFFFF  }
0xbf: {  	[dreg:$0x0] =	wrdreg $0xFFFFFFFF;
	(pc) =	sbr.abs _section_cstart, $3  }
0xc0: {  	[dreg:$0x1] =	wrdreg $0xFFFFFFFF  }
0xc1: {  	_ =	task.clear_ibuf [dreg:s6], $0x2FFFF;
	_ =	strace $0x9FFFFFFF  }
0xc2: {  	(tm) =	ssettm $0x7FFFFFFF  }
0xc3: {  	_ =	shalt  }
tec
execute0_lowered:
.L_overlay_start_1:
0x0: {  	(tag) =	ssettag $0x1  }
0x1: {  	s0 =	srdreg.scid;
	s6 =	rddreg [dreg:$0x0]  }
0x2: {  	s2 =	rddreg [dreg:$0x1];
	s3 =	simm.s32 $0x0;
	s14 =	simm.s32 $0x7D  }
0x3: {  	s15 =	simm.s32 $0x5000;
	s5 =	sand.u32 $0x1, s0;
	s0 =	stileid.u32  }
0x4: {  	s16 =	simm.s32 $0x1;
	s17 =	simm.s32 $0x0;
	s8 =	smul.u32 $0x14000, s0  }
0x5: {  	[smem:$0x7FF] =	sst s3;
	s1 =	sshll.u32 s5, $0x4;
	s9 =	smul.u32 $0x140000, s5  }
0x6: {  	s5 =	ssub.s32 $0x2, s5;
	s29 =	smul.u32 $0x50000, s0;
	s31 =	sshll.u32 s0, $0x6  }
0x7: {  	s4 =	sor.u32 s0, s1;
	s1 =	rddreg [dreg:$0x2];
	_ =	strace $0x8000004D  }
0x8: {  	s11 =	sshrl.u32 s5, $0x1;
	s7 =	smul.u32 $0x500, s4;
	s4 =	sadd.s32 $0xD000, s6  }
0x9: {  	s28 =	sshrl.u32 s8, $0x3;
	s8 =	sadd.s32 s8, s9;
	s30 =	sshrl.u32 s29, $0x2  }
0xa: {  	s11 =	ssub.s32 s5, s11;
	s8 =	sshrl.u32 s8, $0x3;
	s13 =	sadd.s32 s30, s2  }
0xb: {  	s10 =	sadd.s32 s7, s6;
	s7 =	sadd.s32 s28, s6;
	s12 =	sadd.s32 s8, s6  }
0xc: {  	s6 =	sor.u32 $0x1C02, s31;
	s5 =	sadd.s32 $0x34200, s7;
	s7 =	sadd.s32 $0x5D000, s10  }
0xd: {  	s8 =	sadd.s32 $0x3000, s10;
	s9 =	sadd.s32 $0x67000, s12;
	s10 =	smax.u32 s11, $0x1  }
0xe: {  	s11 =	sshrl.u32 s13, $0x3;
	s12 =	simm.s32 $0x2;
	s13 =	simm.s32 $0x2800  }
.LBB2_1:
0xf: {  	[spmem:s11], [sflag:s6] =	dma.local [hbm:s5], $0x2800  }
0x10: {  	_ =	swait.ge [sflag:s12], $0x2800  }
0x11: {  	[sflag:s12] =	ssyncset.done $0x0  }
0x12: {  	[sflag:s12] =	ssyncadd.s32 $0xFFFFD800  }
0x13: {  	[tilespmem:s3], [sflag:$0x2] =	stream.linear.gather [hbm4b:s7+s3], $0x2800, $0x38;
	[tilespmem:$0x1D000] =	vst v63  }
0x14: {  	_ =	swait.ge [sflag:s12], $0x2800  }
0x15: {  	[sflag:s12] =	ssyncset.done $0x0  }
0x16: {  	[sflag:s12] =	ssyncadd.s32 $0xFFFFD800  }
0x17: {  	[tilespmem:s13], [sflag:$0x2] =	stream.linear.gather [hbm4b:s8+s3], $0x2800, $0x38;
	[tilespmem:$0x1D000] =	vst v63  }
0x18: {  	_ =	swait.ge [sflag:s12], $0x2800  }
0x19: {  	[sflag:s12] =	ssyncset.done $0x0  }
0x1a: {  	[sflag:s12] =	ssyncadd.s32 $0xFFFFD800  }
0x1b: {  	s18 =	simm.s32 $0x0;
	[bflag:$0x0] =	sbarrier.arrive $0xFFFF  }
0x1c: {  	[tilespmem:s15], [sflag:$0x1] =	stream.indirect.gather [hbm4b:s4+s14], $0x80, s18, s14, $0xb8;
	[tilespmem:$0x1D000] =	vst v63  }
0x1d: {  	_ =	swait.ge [sflag:s16], $0x3E80  }
0x1e: {  	[sflag:s16] =	ssyncset.done $0x0  }
0x1f: {  	s31 =	simm.s32 $0x2800;
	[sflag:s16] =	ssyncadd.s32 $0xFFFFC180  }
0x20: {  	[spmem:s2] =	stream.indirect.scatter.add.f32 [tilespmem:s15], [sflag:$0x2], $0x80, s31, s14, $0xb8;
	[tilespmem:$0x1D000] =	vst v63  }
0x21: {  	_ =	swait.ge [sflag:s12], $0x3E80  }
0x22: {  	s19 =	simm.s32 $0x400;
	s18 =	simm.s32 $0x200;
	[sflag:s12] =	ssyncset.done $0x0  }
.LBB2_2:
0x23: {  	s20 =	sshra.s32 s18, $0x2  }
0x24: {  	[sflag:s12] =	ssyncadd.s32 $0xFFFFC180;
	s18 =	smov.u32 s19;
	s21 =	sadd.s32 $0x200, s19  }
0x25: {  	[tilespmem:s15], [sflag:$0x1] =	stream.indirect.gather [hbm4b:s4+s14], $0x80, s20, s14, $0xb8;
	[tilespmem:$0x1D000] =	vst v63  }
0x26: {  	p0 =	sne.s32 s19, $0x9E00;
	_ =	swait.ge [sflag:s16], $0x3E80  }
.Ltmp0:
0x27: {  	[sflag:s16] =	ssyncset.done $0x0;
	(pc) =	sbr.rel @p0 .LBB2_2-.Ltmp0, $4  }
0x28: {  	s19 =	sadd.s32 $0x2800, s20;
	[sflag:s16] =	ssyncadd.s32 $0xFFFFC180  }
0x29: {  	[spmem:s2] =	stream.indirect.scatter.add.f32 [tilespmem:s15], [sflag:$0x2], $0x80, s19, s14, $0xb8;
	[tilespmem:$0x1D000] =	vst v63  }
0x2a: {  	_ =	swait.ge [sflag:s12], $0x3E80  }
0x2b: {  	s19 =	smov.u32 s21;
	[sflag:s12] =	ssyncset.done $0x0  }
0x2c: {  	s18 =	sshra.s32 s18, $0x2;
	[sflag:s12] =	ssyncadd.s32 $0xFFFFC180  }
0x2d: {  	[tilespmem:s15], [sflag:$0x1] =	stream.indirect.gather [hbm4b:s4+s14], $0x80, s18, s14, $0xb8;
	[tilespmem:$0x1D000] =	vst v63  }
0x2e: {  	_ =	swait.ge [sflag:s16], $0x3E80  }
0x2f: {  	[sflag:s16] =	ssyncset.done $0x0  }
0x30: {  	s18 =	sadd.s32 $0x2800, s18;
	[sflag:s16] =	ssyncadd.s32 $0xFFFFC180  }
0x31: {  	[spmem:s2] =	stream.indirect.scatter.add.f32 [tilespmem:s15], [sflag:$0x2], $0x80, s18, s14, $0xb8;
	[tilespmem:$0x1D000] =	vst v63  }
0x32: {  	_ =	swait.ge [sflag:s12], $0x3E80  }
0x33: {  	s17 =	sadd.s32 $0x1, s17;
	[sflag:s12] =	ssyncset.done $0x0  }
0x34: {  	p0 =	sne.s32 s17, s10;
	[sflag:s12] =	ssyncadd.s32 $0xFFFFC180  }
.Ltmp1:
0x35: {  	[bflag:$0x0] =	sbarrier.arrive $0xFFFF;
	(pc) =	sbr.rel @p0 .LBB2_1-.Ltmp1, $4  }
0x36: {  	[hbm:s9], [sflag:s6] =	dma.local [spmem:s11], $0x2800  }
0x37: {  	_ =	swait.ge [sflag:s12], $0x2800  }
0x38: {  	[sflag:s12] =	ssyncset.done $0x0  }
0x39: {  	[sflag:s12] =	ssyncadd.s32 $0xFFFFD800  }
0x3a: {  	_ =	sfence.sel $0x180000  }
0x3b: {  	[bflag:$0x0] =	sbarrier.arrive $0xFFFF  }
0x3c: {  	p0 =	sne.s32 s0, $0x0;
	_ =	strace $0x9000004D  }
0x3d: {  	s0 =	sadd.s32 @!p0 $0x100000, s1;
	[bflag:$0x2] =	sbarrier.arrive $0xFFFF  }
0x3e: {  	[sflag:s0] =	ssyncadd.tile.s32 @!p0 $0x1;
	_ =	shalt  }
.Lfunc_end2:
_tile_overlayer_lowered:
.L_overlay_start_2:
0x3f: {  	(tag) =	ssettag $0x2  }
0x40: {  	s0 =	rddreg [dreg:$0x0];
	s2 =	stileid.u32  }
0x41: {  	s1 =	rddreg [dreg:$0x1];
	p0 =	sne.s32 s2, $0x0  }
0x42: {  	s3 =	rddreg [dreg:$0x2];
	[bflag:$0x3] =	sbarrier.arrive $0xFFFF;
	s2 =	simm.s32 @!p0 $0x1C02  }
0x43: {  	[timem:s3], [sflag:s2] =	dma.local @!p0 [hbm:s0], s1  }
0x44: {  	s0 =	simm.s32 @!p0 $0x2  }
0x45: {  	_ =	swait.ge @!p0 [sflag:s0], s1  }
0x46: {  	s1 =	ssub.s32 @!p0 $0x0, s1;
	[sflag:s0] =	ssyncset.done @!p0 $0x0  }
0x47: {  	[sflag:s0] =	ssyncadd.s32 @!p0 s1  }
0x48: {  	[bflag:$0x3] =	sbarrier.arrive $0xFFFF  }
0x49: {  	_ =	shalt  }

// kernel: kernel.19.cloned.1.call-start
scs
__scs_entry_jumppad:
0x0: {  	(pc) =	sbr.rel $0x88, $3  }
0x1: {  	(tag) =	ssettag $0x0;
	lr =	simm.s32 $0x1  }
0x2: {  	[smem:$0x3F96] =	sst lr;
	_ =	strace $0xD0000000  }
0x3: {  	_ = 	snop  }
0x4: {  	_ = 	snop  }
0x5: {  	_ = 	snop  }
0x6: {  	_ = 	snop  }
0x7: {  	_ = 	snop  }
__scs_overlays_trampoline_lowered:
0x8: {  	[smem:$0x3FA5] =	sst s0  }
0x9: {  	[smem:$0x3FA6] =	sst s1  }
0xa: {  	[smem:$0x3FA7] =	sst s2  }
0xb: {  	[smem:$0x3FA8] =	sst s3  }
0xc: {  	[smem:$0x3FA9] =	sst s4  }
0xd: {  	[smem:$0x3FAA] =	sst s5  }
0xe: {  	[smem:$0x3FAB] =	sst s6  }
0xf: {  	[smem:$0x3FAC] =	sst s7  }
0x10: {  	[smem:$0x3FAD] =	sst s8  }
0x11: {  	[smem:$0x3FAE] =	sst s9;
	s0 =	simm.s32 @!p0 $0x0  }
0x12: {  	s1 =	sld [smem:$0x3F94];
	s0 =	simm.s32 @p0 $0x1  }
0x13: {  	[smem:$0x3FAF] =	sst s0;
	s0 =	simm.s32 @!p1 $0x0  }
0x14: {  	s2 =	sld [smem:$0x3F93];
	s0 =	simm.s32 @p1 $0x1  }
0x15: {  	[smem:$0x3FB0] =	sst s0;
	s0 =	simm.s32 @!p2 $0x0  }
0x16: {  	s3 =	sld [smem:$0x3FDB];
	s0 =	simm.s32 @p2 $0x1  }
0x17: {  	s4 =	simm.s32 $0x1BF5;
	[smem:$0x3FB2] =	sst s0  }
0x18: {  	s0 =	sld [smem:$0x3F95];
	_ =	swait.ge [sflag:s4], $0x0  }
0x19: {  	s7 =	sld [smem:$0x3F96]  }
0x1a: {  	s8 =	sadd.s32 $0xFFFFE003, lr  }
0x1b: {  	s9 =	sadd.s32 $0xFFFFFEF7, lr;
	s5 =	simm.s32 $0xFFFFFFFF;
	p2 =	slt.u32 s8, $0xFFFFF086  }
0x1c: {  	p1 =	slt.u32 s9, $0xF7A;
	s5 =	simm.s32 @!p2 $0x0  }
0x1d: {  	s5 =	simm.s32 @p1 $0x1;
	p0 =	seq.s32 s7, s2  }
0x1e: {  	s7 =	smul.u32 @!p0 $0xF7A, s2;
	p2 =	seq.s32 @!p0 s5, $0x0  }
0x1f: {  	s9 =	smul.u32 $0xF7A, s1;
	s8 =	simm.s32 @!p0 $0x1BF5;
	p2 =	por !p2, p0  }
0x20: {  	[sflag:s8] =	ssyncset.s32 @!p0 $0xFFFFF086;
	s6 =	sadd.s32 @!p0 s3, s7;
	s7 =	simm.s32 @!p0 $0x108  }
0x21: {  	s3 =	sadd.s32 s3, s9;
	s6 =	sadd.s32 @!p0 $0x88, s6;
	s7 =	simm.s32 @p2 $0x1082  }
0x22: {  	[simem:s7], [sflag:s8] =	dma.local @!p0 [hbm:s6], $0xF7A  }
0x23: {  	s9 =	sor.u32 $0xD0000000, s2;
	s6 =	simm.s32 $0x108;
	_ =	swait.ge @!p0 [sflag:s8], $0x0  }
0x24: {  	s3 =	sadd.s32 $0x88, s3;
	s6 =	simm.s32 @!p1 $0x1082;
	[sflag:s4] =	ssyncset.s32 $0xFFFFF086  }
0x25: {  	[simem:s6], [sflag:s4] =	dma.local [hbm:s3], $0xF7A  }
0x26: {  	[smem:$0x3F96] =	sst s1;
	(tag) =	ssettag s2;
	_ =	strace s9  }
0x27: {  	s1 =	sld [smem:$0x3FA6]  }
0x28: {  	s2 =	sld [smem:$0x3FA7]  }
0x29: {  	s4 =	sld [smem:$0x3FA9]  }
0x2a: {  	p0 =	seq.s32 s5, $0x0;
	s5 =	sld [smem:$0x3FAA]  }
0x2b: {  	s6 =	sld [smem:$0x3FAB]  }
0x2c: {  	s7 =	sld [smem:$0x3FAC]  }
0x2d: {  	s3 =	simm.s32 $0x108;
	s8 =	sld [smem:$0x3FAD]  }
0x2e: {  	s3 =	simm.s32 @!p0 $0x1082;
	s9 =	sld [smem:$0x3FAE]  }
0x2f: {  	lr =	sadd.s32 s0, s3;
	s0 =	sld [smem:$0x3FA5]  }
0x30: {  	s3 =	sld [smem:$0x3FA8]  }
0x31: {  	[smem:$0x3FB1] =	sst s10  }
0x32: {  	s10 =	sld [smem:$0x3FAF];
	_ =	sdelay $0x3  }
0x33: {  	p0 =	seq.s32 s10, $0x1;
	s10 =	sld [smem:$0x3FB1];
	_ =	sdelay $0x3  }
0x34: {  	[smem:$0x3FB1] =	sst s10  }
0x35: {  	s10 =	sld [smem:$0x3FB0];
	_ =	sdelay $0x3  }
0x36: {  	p1 =	seq.s32 s10, $0x1;
	s10 =	sld [smem:$0x3FB1];
	_ =	sdelay $0x3  }
0x37: {  	[smem:$0x3FB1] =	sst s10  }
0x38: {  	s10 =	sld [smem:$0x3FB2]  }
0x39: {  	_ = 	snop;
	(pc) =	sbr.ind lr, $3  }
0x3a: {  	_ = 	snop  }
0x3b: {  	_ = 	snop  }
0x3c: {  	p2 =	seq.s32 s10, $0x1;
	s10 =	sld [smem:$0x3FB1]  }
0x3d: {  	_ =	shalt  }
0x3e: {  	_ =	shalt  }
0x3f: {  	_ =	shalt  }
0x40: {  	_ =	shalt  }
0x41: {  	_ =	shalt  }
0x42: {  	_ =	shalt  }
0x43: {  	_ =	shalt  }
0x44: {  	_ =	shalt  }
0x45: {  	_ =	shalt  }
0x46: {  	_ =	shalt  }
0x47: {  	_ =	shalt  }
0x48: {  	_ =	shalt  }
0x49: {  	_ =	shalt  }
0x4a: {  	_ =	shalt  }
0x4b: {  	_ =	shalt  }
0x4c: {  	_ =	shalt  }
0x4d: {  	_ =	shalt  }
0x4e: {  	_ =	shalt  }
0x4f: {  	_ =	shalt  }
0x50: {  	_ =	shalt  }
0x51: {  	_ =	shalt  }
0x52: {  	_ =	shalt  }
0x53: {  	_ =	shalt  }
0x54: {  	_ =	shalt  }
0x55: {  	_ =	shalt  }
0x56: {  	_ =	shalt  }
0x57: {  	_ =	shalt  }
0x58: {  	_ =	shalt  }
0x59: {  	_ =	shalt  }
0x5a: {  	_ =	shalt  }
0x5b: {  	_ =	shalt  }
0x5c: {  	_ =	shalt  }
0x5d: {  	_ =	shalt  }
0x5e: {  	_ =	shalt  }
0x5f: {  	_ =	shalt  }
0x60: {  	_ =	shalt  }
0x61: {  	_ =	shalt  }
0x62: {  	_ =	shalt  }
0x63: {  	_ =	shalt  }
0x64: {  	_ =	shalt  }
0x65: {  	_ =	shalt  }
0x66: {  	_ =	shalt  }
0x67: {  	_ =	shalt  }
0x68: {  	_ =	shalt  }
0x69: {  	_ =	shalt  }
0x6a: {  	_ =	shalt  }
0x6b: {  	_ =	shalt  }
0x6c: {  	_ =	shalt  }
0x6d: {  	_ =	shalt  }
0x6e: {  	_ =	shalt  }
0x6f: {  	_ =	shalt  }
0x70: {  	_ =	shalt  }
0x71: {  	_ =	shalt  }
0x72: {  	_ =	shalt  }
0x73: {  	_ =	shalt  }
0x74: {  	_ =	shalt  }
0x75: {  	_ =	shalt  }
0x76: {  	_ =	shalt  }
0x77: {  	_ =	shalt  }
0x78: {  	_ =	shalt  }
0x79: {  	_ =	shalt  }
0x7a: {  	_ =	shalt  }
0x7b: {  	_ =	shalt  }
0x7c: {  	_ =	shalt  }
0x7d: {  	_ =	shalt  }
0x7e: {  	_ =	shalt  }
0x7f: {  	_ =	shalt  }
0x80: {  	_ =	shalt  }
0x81: {  	_ =	shalt  }
0x82: {  	_ =	shalt  }
0x83: {  	_ =	shalt  }
0x84: {  	_ =	shalt  }
0x85: {  	_ =	shalt  }
0x86: {  	_ =	shalt  }
0x87: {  	_ =	shalt  }
.Lfunc_end0:
.L_simem_size_0:
called_computation.3_lowered:
.L_overlay_start_0:
0x88: {  	s2 =	sld [smem:$0x3FD9]  }
0x89: {  	s3 =	sld [smem:$0x3FFE];
	_ =	sdelay $0x1  }
0x8a: {  	s1 =	srdreg.scid  }
0x8b: {  	s0 =	sand.u32 $0x1, s1  }
0x8c: {  	s16 =	sshll.u32 s0, $0xA;
	s2 =	sadd.s32 s3, s2  }
0x8d: {  	s2 =	sadd.s32 s2, s16  }
0x8e: {  	[smem:$0x3FBD] =	sst s2  }
0x8f: {  	_ = 	snop  }
0x90: {  	(tm) =	ssettm $0x1  }
0x91: {  	s17 =	sld [smem:$0x3FFB];
	_ =	sdelay $0x3  }
0x92: {  	_ =	strace s17  }
0x93: {  	s2 =	sld [smem:$0x3FFC];
	_ =	sdelay $0x3  }
0x94: {  	_ =	strace s2  }
0x95: {  	s2 =	sld [smem:$0x3FFD];
	_ =	sdelay $0x3  }
0x96: {  	_ =	strace s2  }
0x97: {  	_ =	strace $0x8FFFFFFF  }
0x98: {  	s18 =	sld [smem:$0x3FDB];
	_ =	sdelay $0x1  }
0x99: {  	s19 =	simm.s32 $_scs_section_size  }
0x9a: {  	s4 =	simm.s32 $_size__tile_overlayer_lowered;
	s5 =	simm.s32 $_tile_overlayer_lowered  }
0x9b: {  	s22 =	simm.s32 $0x1BFF;
	s21 =	sshll.u32 s5, $0x1;
	s2 =	sadd.s32 s19, s18  }
0x9c: {  	s6 =	simm.s32 $0x0;
	s20 =	sshll.u32 s4, $0x1;
	s4 =	sadd.s32 s21, s2  }
0x9d: {  	[timem:s6], [sflag:s22] =	dma.local [hbm:s4], s20  }
0x9e: {  	_ =	swait.ge [sflag:s22], s20  }
0x9f: {  	s3 =	ssub.s32 $0x0, s20;
	[sflag:s22] =	ssyncset.done $0x0  }
0xa0: {  	[sflag:s22] =	ssyncadd.s32 s3;
	_ =	sdelay $0x1  }
0xa1: {  	s23 =	simm.s32 $0x1B8B  }
0xa2: {  	_ =	swait.ge [sflag:s23], $0x1  }
0xa3: {  	[sflag:s23] =	ssyncset.done $0x0  }
0xa4: {  	s25 =	simm.s32 $0x1B8E;
	s24 =	sld [smem:$0x3FFE];
	[sflag:s23] =	ssyncadd.s32 $0xFFFFFFFF  }
0xa5: {  	s26 =	simm.s32 $execute0_lowered;
	[smem:$0x3FD2] =	sst s25  }
0xa6: {  	s4 =	sshll.u32 s26, $0x1;
	_ =	strace $0x8000004F;
	[dreg:$0x1] =	wrdreg $0xFFFFFFFF  }
0xa7: {  	s28 =	simm.s32 $_size_execute0_lowered;
	s2 =	sadd.s32 s2, s4;
	[dreg:$0x0] =	wrdreg $0x0  }
0xa8: {  	s4 =	sshll.u32 s28, $0x1;
	[dreg:$0x2] =	wrdreg s2  }
0xa9: {  	[dreg:$0x3] =	wrdreg s4  }
0xaa: {  	[dreg:$0x4] =	wrdreg $0xC0  }
0xab: {  	_ =	task [dreg:s6], $0x5FFFF  }
0xac: {  	[dreg:$0x1] =	wrdreg $0xFFFFFFFF  }
0xad: {  	[dreg:$0x0] =	wrdreg $0x60  }
0xae: {  	[dreg:$0x2] =	wrdreg s24  }
0xaf: {  	[dreg:$0x3] =	wrdreg $0x90000  }
0xb0: {  	[dreg:$0x4] =	wrdreg $0x9  }
0xb1: {  	_ =	task.clear_ibuf [dreg:s6], $0x5FFFF;
	_ =	strace $0x9000004F  }
0xb2: {  	s29 =	simm.s32 $0x9;
	_ =	strace $0x80000051  }
0xb3: {  	_ =	swait.ge [sflag:s29], $0x1  }
0xb4: {  	[sflag:s29] =	ssyncadd.s32 $0xFFFFFFFF  }
0xb5: {  	_ =	strace $0x90000051  }
0xb6: {  	_ =	sfence  }
0xb7: {  	s30 =	sld [smem:$0x0];
	_ =	sdelay $0x2  }
0xb8: {  	s31 =	sshll.u32 s1, $0xD;
	s1 =	sshrl.u32 s1, $0x2  }
0xb9: {  	s3 =	sand.u32 $0x4000, s31;
	s1 =	sadd.s32 s1, s30  }
0xba: {  	s0 =	sor.u32 s3, s0;
	s1 =	sshll.u32 s1, $0x11  }
0xbb: {  	s0 =	sor.u32 s1, s0  }
0xbc: {  	s0 =	sadd.s32 $0x8F2B, s0  }
0xbd: {  	[sflag:s0] =	ssyncadd.remote.s32 $0x1  }
0xbe: {  	_ =	sfence.sel $0xFFFF  }
0xbf: {  	[dreg:$0x0] =	wrdreg $0xFFFFFFFF;
	(pc) =	sbr.abs _section_cstart, $3  }
0xc0: {  	[dreg:$0x1] =	wrdreg $0xFFFFFFFF  }
0xc1: {  	_ =	task.clear_ibuf [dreg:s6], $0x2FFFF;
	_ =	strace $0x9FFFFFFF  }
0xc2: {  	(tm) =	ssettm $0x7FFFFFFF  }
0xc3: {  	_ =	shalt  }
tec
execute0_lowered:
.L_overlay_start_1:
0x0: {  	(tag) =	ssettag $0x1  }
0x1: {  	s0 =	srdreg.scid;
	s6 =	rddreg [dreg:$0x0]  }
0x2: {  	s2 =	rddreg [dreg:$0x1];
	s3 =	simm.s32 $0x0;
	s14 =	simm.s32 $0x7D  }
0x3: {  	s15 =	simm.s32 $0x5000;
	s5 =	sand.u32 $0x1, s0;
	s0 =	stileid.u32  }
0x4: {  	s16 =	simm.s32 $0x1;
	s17 =	simm.s32 $0x0;
	s8 =	smul.u32 $0x14000, s0  }
0x5: {  	[smem:$0x7FF] =	sst s3;
	s1 =	sshll.u32 s5, $0x4;
	s9 =	smul.u32 $0x140000, s5  }
0x6: {  	s5 =	ssub.s32 $0x2, s5;
	s29 =	smul.u32 $0x50000, s0;
	s31 =	sshll.u32 s0, $0x6  }
0x7: {  	s4 =	sor.u32 s0, s1;
	s1 =	rddreg [dreg:$0x2];
	_ =	strace $0x80000050  }
0x8: {  	s11 =	sshrl.u32 s5, $0x1;
	s7 =	smul.u32 $0x500, s4;
	s4 =	sadd.s32 $0xD000, s6  }
0x9: {  	s28 =	sshrl.u32 s8, $0x3;
	s8 =	sadd.s32 s8, s9;
	s30 =	sshrl.u32 s29, $0x2  }
0xa: {  	s11 =	ssub.s32 s5, s11;
	s8 =	sshrl.u32 s8, $0x3;
	s13 =	sadd.s32 s30, s2  }
0xb: {  	s10 =	sadd.s32 s7, s6;
	s7 =	sadd.s32 s28, s6;
	s12 =	sadd.s32 s8, s6  }
0xc: {  	s6 =	sor.u32 $0x1C02, s31;
	s5 =	sadd.s32 $0x34200, s7;
	s7 =	sadd.s32 $0x5D000, s10  }
0xd: {  	s8 =	sadd.s32 $0x3000, s10;
	s9 =	sadd.s32 $0x67000, s12;
	s10 =	smax.u32 s11, $0x1  }
0xe: {  	s11 =	sshrl.u32 s13, $0x3;
	s12 =	simm.s32 $0x2;
	s13 =	simm.s32 $0x2800  }
.LBB2_1:
0xf: {  	[spmem:s11], [sflag:s6] =	dma.local [hbm:s5], $0x2800  }
0x10: {  	_ =	swait.ge [sflag:s12], $0x2800  }
0x11: {  	[sflag:s12] =	ssyncset.done $0x0  }
0x12: {  	[sflag:s12] =	ssyncadd.s32 $0xFFFFD800  }
0x13: {  	[tilespmem:s3], [sflag:$0x2] =	stream.linear.gather [hbm4b:s7+s3], $0x2800, $0x38;
	[tilespmem:$0x1D000] =	vst v63  }
0x14: {  	_ =	swait.ge [sflag:s12], $0x2800  }
0x15: {  	[sflag:s12] =	ssyncset.done $0x0  }
0x16: {  	[sflag:s12] =	ssyncadd.s32 $0xFFFFD800  }
0x17: {  	[tilespmem:s13], [sflag:$0x2] =	stream.linear.gather [hbm4b:s8+s3], $0x2800, $0x38;
	[tilespmem:$0x1D000] =	vst v63  }
0x18: {  	_ =	swait.ge [sflag:s12], $0x2800  }
0x19: {  	[sflag:s12] =	ssyncset.done $0x0  }
0x1a: {  	[sflag:s12] =	ssyncadd.s32 $0xFFFFD800  }
0x1b: {  	s18 =	simm.s32 $0x0;
	[bflag:$0x0] =	sbarrier.arrive $0xFFFF  }
0x1c: {  	[tilespmem:s15], [sflag:$0x1] =	stream.indirect.gather [hbm4b:s4+s14], $0x80, s18, s14, $0xb8;
	[tilespmem:$0x1D000] =	vst v63  }
0x1d: {  	_ =	swait.ge [sflag:s16], $0x3E80  }
0x1e: {  	[sflag:s16] =	ssyncset.done $0x0  }
0x1f: {  	s31 =	simm.s32 $0x2800;
	[sflag:s16] =	ssyncadd.s32 $0xFFFFC180  }
0x20: {  	[spmem:s2] =	stream.indirect.scatter.add.f32 [tilespmem:s15], [sflag:$0x2], $0x80, s31, s14, $0xb8;
	[tilespmem:$0x1D000] =	vst v63  }
0x21: {  	_ =	swait.ge [sflag:s12], $0x3E80  }
0x22: {  	s19 =	simm.s32 $0x400;
	s18 =	simm.s32 $0x200;
	[sflag:s12] =	ssyncset.done $0x0  }
.LBB2_2:
0x23: {  	s20 =	sshra.s32 s18, $0x2  }
0x24: {  	[sflag:s12] =	ssyncadd.s32 $0xFFFFC180;
	s18 =	smov.u32 s19;
	s21 =	sadd.s32 $0x200, s19  }
0x25: {  	[tilespmem:s15], [sflag:$0x1] =	stream.indirect.gather [hbm4b:s4+s14], $0x80, s20, s14, $0xb8;
	[tilespmem:$0x1D000] =	vst v63  }
0x26: {  	p0 =	sne.s32 s19, $0x9E00;
	_ =	swait.ge [sflag:s16], $0x3E80  }
.Ltmp0:
0x27: {  	[sflag:s16] =	ssyncset.done $0x0;
	(pc) =	sbr.rel @p0 .LBB2_2-.Ltmp0, $4  }
0x28: {  	s19 =	sadd.s32 $0x2800, s20;
	[sflag:s16] =	ssyncadd.s32 $0xFFFFC180  }
0x29: {  	[spmem:s2] =	stream.indirect.scatter.add.f32 [tilespmem:s15], [sflag:$0x2], $0x80, s19, s14, $0xb8;
	[tilespmem:$0x1D000] =	vst v63  }
0x2a: {  	_ =	swait.ge [sflag:s12], $0x3E80  }
0x2b: {  	s19 =	smov.u32 s21;
	[sflag:s12] =	ssyncset.done $0x0  }
0x2c: {  	s18 =	sshra.s32 s18, $0x2;
	[sflag:s12] =	ssyncadd.s32 $0xFFFFC180  }
0x2d: {  	[tilespmem:s15], [sflag:$0x1] =	stream.indirect.gather [hbm4b:s4+s14], $0x80, s18, s14, $0xb8;
	[tilespmem:$0x1D000] =	vst v63  }
0x2e: {  	_ =	swait.ge [sflag:s16], $0x3E80  }
0x2f: {  	[sflag:s16] =	ssyncset.done $0x0  }
0x30: {  	s18 =	sadd.s32 $0x2800, s18;
	[sflag:s16] =	ssyncadd.s32 $0xFFFFC180  }
0x31: {  	[spmem:s2] =	stream.indirect.scatter.add.f32 [tilespmem:s15], [sflag:$0x2], $0x80, s18, s14, $0xb8;
	[tilespmem:$0x1D000] =	vst v63  }
0x32: {  	_ =	swait.ge [sflag:s12], $0x3E80  }
0x33: {  	s17 =	sadd.s32 $0x1, s17;
	[sflag:s12] =	ssyncset.done $0x0  }
0x34: {  	p0 =	sne.s32 s17, s10;
	[sflag:s12] =	ssyncadd.s32 $0xFFFFC180  }
.Ltmp1:
0x35: {  	[bflag:$0x0] =	sbarrier.arrive $0xFFFF;
	(pc) =	sbr.rel @p0 .LBB2_1-.Ltmp1, $4  }
0x36: {  	[hbm:s9], [sflag:s6] =	dma.local [spmem:s11], $0x2800  }
0x37: {  	_ =	swait.ge [sflag:s12], $0x2800  }
0x38: {  	[sflag:s12] =	ssyncset.done $0x0  }
0x39: {  	[sflag:s12] =	ssyncadd.s32 $0xFFFFD800  }
0x3a: {  	_ =	sfence.sel $0x180000  }
0x3b: {  	[bflag:$0x0] =	sbarrier.arrive $0xFFFF  }
0x3c: {  	p0 =	sne.s32 s0, $0x0;
	_ =	strace $0x90000050  }
0x3d: {  	s0 =	sadd.s32 @!p0 $0x100000, s1;
	[bflag:$0x2] =	sbarrier.arrive $0xFFFF  }
0x3e: {  	[sflag:s0] =	ssyncadd.tile.s32 @!p0 $0x1;
	_ =	shalt  }
.Lfunc_end2:
_tile_overlayer_lowered:
.L_overlay_start_2:
0x3f: {  	(tag) =	ssettag $0x2  }
0x40: {  	s0 =	rddreg [dreg:$0x0];
	s2 =	stileid.u32  }
0x41: {  	s1 =	rddreg [dreg:$0x1];
	p0 =	sne.s32 s2, $0x0  }
0x42: {  	s3 =	rddreg [dreg:$0x2];
	[bflag:$0x3] =	sbarrier.arrive $0xFFFF;
	s2 =	simm.s32 @!p0 $0x1C02  }
0x43: {  	[timem:s3], [sflag:s2] =	dma.local @!p0 [hbm:s0], s1  }
0x44: {  	s0 =	simm.s32 @!p0 $0x2  }
0x45: {  	_ =	swait.ge @!p0 [sflag:s0], s1  }
0x46: {  	s1 =	ssub.s32 @!p0 $0x0, s1;
	[sflag:s0] =	ssyncset.done @!p0 $0x0  }
0x47: {  	[sflag:s0] =	ssyncadd.s32 @!p0 s1  }
0x48: {  	[bflag:$0x3] =	sbarrier.arrive $0xFFFF  }
0x49: {  	_ =	shalt  }

</sc_bundles>
